<compile_context>
chip_gen: v7x
topology: tpu7x:2x2x1
jax: 0.10.2.dev20260603
libtpu: 0.0.44.dev20260713+nightly
codegen_flags: <defaults>
</compile_context>

<pallas_src>
import functools

import jax
import jax.numpy as jnp
from jax import lax
from jax.experimental import pallas as pl
from jax.experimental.pallas import tpu as pltpu
from jax.experimental.pallas import tpu_sc as plsc

EMB = 32
B_TOTAL = 4096 * 200
NUM_WORKERS = 32
TOK = 1024
UNITS = B_TOTAL // TOK
UPW = UNITS // NUM_WORKERS


def _emb_body(x_hbm, table_hbm, out_hbm, idx0, idx1, buf0, buf1, slab,
              semg0, semg1):
    wid = lax.axis_index("s") * 2 + lax.axis_index("c")
    base_u = wid * UPW

    iota16 = lax.iota(jnp.int32, 16)

    def load_idx(u, idx_v):
        pltpu.sync_copy(x_hbm.at[pl.ds(u * TOK, TOK)], idx_v)

    def start_gather(idx_v, buf, semg):
        return pltpu.async_copy(table_hbm.at[idx_v], buf, semg)

    a_lo = lax.shift_right_logical(iota16, 3)
    a_hi = a_lo + 2
    r_v = lax.bitwise_and(iota16, 7)

    def transpose_unit(buf):
        @plsc.parallel_loop(0, TOK, unroll=4)
        def body(t):
            c = lax.shift_right_logical(t, 7)
            l = lax.bitwise_and(t, 127)
            cv = jnp.full((16,), c, jnp.int32)
            lv = jnp.full((16,), l, jnp.int32)
            v0 = buf[t, pl.ds(0, 16)]
            plsc.store_scatter(slab, [a_lo, cv, r_v, lv], v0)
            v1 = buf[t, pl.ds(16, 16)]
            plsc.store_scatter(slab, [a_hi, cv, r_v, lv], v1)

    def write_slab(u):
        s = u // 4
        q = u % 4
        pltpu.sync_copy(
            slab.at[:, :, :, pl.ds(0, 128)],
            out_hbm.at[s, slice(None), pl.ds(q * 8, 8)])

    load_idx(base_u, idx0)
    g0 = start_gather(idx0, buf0, semg0)

    def wait_gather(idx_v, buf, semg):
        pltpu.make_async_copy(table_hbm.at[idx_v], buf, semg).wait()

    def pair(i, carry):
        u0 = base_u + 2 * i
        load_idx(u0 + 1, idx1)
        start_gather(idx1, buf1, semg1)
        wait_gather(idx0, buf0, semg0)
        transpose_unit(buf0)
        write_slab(u0)
        load_idx(u0 + 2, idx0)
        start_gather(idx0, buf0, semg0)
        wait_gather(idx1, buf1, semg1)
        transpose_unit(buf1)
        write_slab(u0 + 1)
        return carry

    lax.fori_loop(0, (UPW - 1) // 2, pair, 0)

    u_last = base_u + UPW - 1
    wait_gather(idx0, buf0, semg0)
    transpose_unit(buf0)
    write_slab(u_last)


def kernel(x, table):
    xf = x.T.reshape(-1)
    mesh = plsc.VectorSubcoreMesh(core_axis_name="c", subcore_axis_name="s")
    run = functools.partial(
        pl.kernel,
        mesh=mesh,
        out_type=jax.ShapeDtypeStruct((200, 4, 32, 8, 128), jnp.float32),
        scratch_types=[
            pltpu.VMEM((TOK,), jnp.int32),
            pltpu.VMEM((TOK,), jnp.int32),
            pltpu.VMEM((TOK, EMB), jnp.float32),
            pltpu.VMEM((TOK, EMB), jnp.float32),
            pltpu.VMEM((4, 8, 8, 129), jnp.float32),
            pltpu.SemaphoreType.DMA,
            pltpu.SemaphoreType.DMA,
        ],
        compiler_params=pltpu.CompilerParams(
            use_tc_tiling_on_sc=False, needs_layout_passes=False),
    )(_emb_body)
    out5d = run(xf, table)
    return out5d.transpose(2, 4, 0, 1, 3).reshape(4096, 200, 32)

# --- scband reference (transcript-rebuilt; emitter-appended) ---
"""Pipeline reference for scband-token-embeddings-8005819039808 (READ-ONLY COPY).

The authoritative reference and input builder live on the scoring server;
editing this copy changes nothing except your own understanding.
"""

import jax, jax.numpy as jnp
import numpy as np

VOCAB = 1000000
EMB = 32

def setup_inputs(seed: int = 0) -> dict:
    key = jax.random.key(seed)
    k1, k2 = jax.random.split(key)
    x = jax.random.randint(k1, (4096, 200), 0, VOCAB, dtype=jnp.int64 if jax.config.read('jax_enable_x64') else jnp.int32)
    table = jax.random.normal(k2, (VOCAB, EMB), dtype=jnp.float32)
    return {"x": x, "table": table}

def reference(x, table):
    # nn.Embedding forward: gather rows of the embedding table
    return jnp.take(table, x, axis=0)

if __name__ == "__main__":
    import jax
    _d = setup_inputs()
    print(jax.jit(kernel)(*tuple(_d.values())))

</pallas_src>

<mosaic_0001>
#map = affine_map<(d0, d1) -> (0)>
#map1 = affine_map<(d0, d1) -> (0, 0)>
#map2 = affine_map<(d0, d1) -> (0, 0, 0, 0, 0)>
module attributes {stable_mosaic.version = 14 : i64} {
  func.func @_emb_body(%arg0: i32, %arg1: i32, %arg2: memref<819200xi32, #tpu.memory_space<hbm>>, %arg3: memref<1000000x32xf32, #tpu.memory_space<hbm>>, %arg4: memref<200x4x32x8x128xf32, #tpu.memory_space<hbm>>, %arg5: memref<1024xi32, #tpu.memory_space<vmem>>, %arg6: memref<1024xi32, #tpu.memory_space<vmem>>, %arg7: memref<1024x32xf32, #tpu.memory_space<vmem>>, %arg8: memref<1024x32xf32, #tpu.memory_space<vmem>>, %arg9: memref<4x8x8x129xf32, #tpu.memory_space<vmem>>, %arg10: memref<!tpu.dma_semaphore, #tpu.memory_space<semaphore_mem>>, %arg11: memref<!tpu.dma_semaphore, #tpu.memory_space<semaphore_mem>>) attributes {dimension_semantics = [#tpu.dimension_semantics<core_parallel>, #tpu.dimension_semantics<subcore_parallel>], iteration_bounds = array<i64: 2, 16>, scalar_prefetch = 0 : i64, scratch_operands = 7 : i64, tpu.core_type = #tpu.core_type<sc_vector_subcore>, window_params = [{transform_indices = #map}, {transform_indices = #map1}, {transform_indices = #map2}]} {
    %mul3A = arith.constant 2 : i32
    %mul3A_0 = arith.muli %arg1, %mul3A : i32
    %add3A = arith.addi %mul3A_0, %arg0 : i32
    %mul3A_1 = arith.constant 25 : i32
    %mul3A_2 = arith.muli %add3A, %mul3A_1 : i32
    %iota3A = tpu.iota {dimensions = array<i32: 0>} : vector<16xi32>
    %shift_right_logical3A = arith.constant 3 : i32
    %shift_right_logical3A_3 = vector.broadcast %shift_right_logical3A : i32 to vector<16xi32>
    %shift_right_logical3A_4 = arith.shrui %iota3A, %shift_right_logical3A_3 : vector<16xi32>
    %add3A_5 = arith.constant 2 : i32
    %add3A_6 = vector.broadcast %add3A_5 : i32 to vector<16xi32>
    %add3A_7 = arith.addi %shift_right_logical3A_4, %add3A_6 : vector<16xi32>
    %and3A = arith.constant 7 : i32
    %and3A_8 = vector.broadcast %and3A : i32 to vector<16xi32>
    %and3A_9 = arith.andi %iota3A, %and3A_8 : vector<16xi32>
    %mul3A_10 = arith.constant 1024 : i32
    %mul3A_11 = arith.muli %mul3A_2, %mul3A_10 : i32
    "tpu.region"() ({
      %run_scoped3A = tpu.sem_alloc : memref<!tpu.dma_semaphore, #tpu.memory_space<semaphore_mem>>
      %dma_start3A_60 = tpu.memref_slice %arg2[%mul3A_11] : memref<819200xi32, #tpu.memory_space<hbm>> -> memref<1024xi32, #tpu.memory_space<hbm>>
      %dma_start3A_61 = tpu.memref_slice %arg2[%mul3A_11] : memref<819200xi32, #tpu.memory_space<hbm>> -> memref<1024xi32, #tpu.memory_space<hbm>>
      tpu.enqueue_dma source(%dma_start3A_61 : memref<1024xi32, #tpu.memory_space<hbm>>) target(%arg5 : memref<1024xi32, #tpu.memory_space<vmem>>) target_semaphore(%run_scoped3A : memref<!tpu.dma_semaphore, #tpu.memory_space<semaphore_mem>>)
      %dma_wait3A_62 = tpu.memref_slice %arg2[%mul3A_11] : memref<819200xi32, #tpu.memory_space<hbm>> -> memref<1024xi32, #tpu.memory_space<hbm>>
      %dma_wait3A_63 = tpu.memref_slice %arg2[%mul3A_11] : memref<819200xi32, #tpu.memory_space<hbm>> -> memref<1024xi32, #tpu.memory_space<hbm>>
      tpu.wait_dma2 semaphore(%run_scoped3A : memref<!tpu.dma_semaphore, #tpu.memory_space<semaphore_mem>>) src(%dma_wait3A_63 : memref<1024xi32, #tpu.memory_space<hbm>>) dst(%arg5 : memref<1024xi32, #tpu.memory_space<vmem>>)
      tpu.yield
    }) : () -> ()
    %dma_start3A = arith.constant 0 : i32
    %dma_start3A_12 = arith.constant 0 : i32
    %dma_start3A_13 = tpu.memref_slice %arg3[%dma_start3A, %dma_start3A_12] : memref<1000000x32xf32, #tpu.memory_space<hbm>> -> memref<1000000x32xf32, #tpu.memory_space<hbm>>
    tpu.enqueue_indirect_dma source(%dma_start3A_13 : memref<1000000x32xf32, #tpu.memory_space<hbm>>) target(%arg7 : memref<1024x32xf32, #tpu.memory_space<vmem>>) offsets(%arg5 : memref<1024xi32, #tpu.memory_space<vmem>>) semaphore(%arg10 : memref<!tpu.dma_semaphore, #tpu.memory_space<semaphore_mem>>)
    %scan3A = arith.constant 0 : i32
    %scan3A_14 = arith.constant 0 : i32
    %scan3A_15 = arith.constant 12 : i32
    %scan3A_16 = arith.addi %scan3A_14, %scan3A_15 : i32
    %scan3A_17 = arith.constant 1 : i32
    scf.for %scan3A_60 = %scan3A_14 to %scan3A_16 step %scan3A_17  : i32 {
      %mul3A_61 = arith.constant 2 : i32
      %mul3A_62 = arith.muli %mul3A_61, %scan3A_60 : i32
      %add3A_63 = arith.addi %mul3A_2, %mul3A_62 : i32
      %add3A_64 = arith.constant 1 : i32
      %add3A_65 = arith.addi %add3A_63, %add3A_64 : i32
      %mul3A_66 = arith.constant 1024 : i32
      %mul3A_67 = arith.muli %add3A_65, %mul3A_66 : i32
      "tpu.region"() ({
        %run_scoped3A = tpu.sem_alloc : memref<!tpu.dma_semaphore, #tpu.memory_space<semaphore_mem>>
        %dma_start3A_176 = tpu.memref_slice %arg2[%mul3A_67] : memref<819200xi32, #tpu.memory_space<hbm>> -> memref<1024xi32, #tpu.memory_space<hbm>>
        %dma_start3A_177 = tpu.memref_slice %arg2[%mul3A_67] : memref<819200xi32, #tpu.memory_space<hbm>> -> memref<1024xi32, #tpu.memory_space<hbm>>
        tpu.enqueue_dma source(%dma_start3A_177 : memref<1024xi32, #tpu.memory_space<hbm>>) target(%arg6 : memref<1024xi32, #tpu.memory_space<vmem>>) target_semaphore(%run_scoped3A : memref<!tpu.dma_semaphore, #tpu.memory_space<semaphore_mem>>)
        %dma_wait3A_178 = tpu.memref_slice %arg2[%mul3A_67] : memref<819200xi32, #tpu.memory_space<hbm>> -> memref<1024xi32, #tpu.memory_space<hbm>>
        %dma_wait3A_179 = tpu.memref_slice %arg2[%mul3A_67] : memref<819200xi32, #tpu.memory_space<hbm>> -> memref<1024xi32, #tpu.memory_space<hbm>>
        tpu.wait_dma2 semaphore(%run_scoped3A : memref<!tpu.dma_semaphore, #tpu.memory_space<semaphore_mem>>) src(%dma_wait3A_179 : memref<1024xi32, #tpu.memory_space<hbm>>) dst(%arg6 : memref<1024xi32, #tpu.memory_space<vmem>>)
        tpu.yield
      }) : () -> ()
      %dma_start3A_68 = arith.constant 0 : i32
      %dma_start3A_69 = arith.constant 0 : i32
      %dma_start3A_70 = tpu.memref_slice %arg3[%dma_start3A_68, %dma_start3A_69] : memref<1000000x32xf32, #tpu.memory_space<hbm>> -> memref<1000000x32xf32, #tpu.memory_space<hbm>>
      tpu.enqueue_indirect_dma source(%dma_start3A_70 : memref<1000000x32xf32, #tpu.memory_space<hbm>>) target(%arg8 : memref<1024x32xf32, #tpu.memory_space<vmem>>) offsets(%arg6 : memref<1024xi32, #tpu.memory_space<vmem>>) semaphore(%arg11 : memref<!tpu.dma_semaphore, #tpu.memory_space<semaphore_mem>>)
      %dma_wait3A_71 = arith.constant 0 : i32
      %dma_wait3A_72 = arith.constant 0 : i32
      %dma_wait3A_73 = tpu.memref_slice %arg3[%dma_wait3A_71, %dma_wait3A_72] : memref<1000000x32xf32, #tpu.memory_space<hbm>> -> memref<1000000x32xf32, #tpu.memory_space<hbm>>
      tpu.wait_indirect_dma semaphore(%arg10 : memref<!tpu.dma_semaphore, #tpu.memory_space<semaphore_mem>>) src(%dma_wait3A_73 : memref<1000000x32xf32, #tpu.memory_space<hbm>>) dst(%arg7 : memref<1024x32xf32, #tpu.memory_space<vmem>>)
      %parallel_loop3A_74 = arith.constant 0 : i32
      %parallel_loop3A_75 = arith.constant 1024 : i32
      %parallel_loop3A_76 = arith.constant 1 : i32
      scf.for %parallel_loop3A_176 = %parallel_loop3A_74 to %parallel_loop3A_75 step %parallel_loop3A_76  : i32 {
        %parallel_loop3A_177 = arith.constant 7 : i32
        %parallel_loop3A_178 = arith.shrui %parallel_loop3A_176, %parallel_loop3A_177 : i32
        %parallel_loop3A_179 = arith.constant 127 : i32
        %parallel_loop3A_180 = arith.andi %parallel_loop3A_176, %parallel_loop3A_179 : i32
        %parallel_loop3A_181 = vector.broadcast %parallel_loop3A_178 : i32 to vector<16xi32>
        %parallel_loop3A_182 = vector.broadcast %parallel_loop3A_180 : i32 to vector<16xi32>
        %parallel_loop3A_183 = arith.index_cast %parallel_loop3A_176 : i32 to index
        %parallel_loop3A_184 = arith.constant 0 : index
        %parallel_loop3A_185 = tpu.vector_load %arg7[%parallel_loop3A_183, %parallel_loop3A_184] {strides = array<i32>} : memref<1024x32xf32, #tpu.memory_space<vmem>>, vector<16xf32>,
        tpu.vector_store_idx %arg9[%shift_right_logical3A_4, %parallel_loop3A_181, %and3A_9, %parallel_loop3A_182], %parallel_loop3A_185 : memref<4x8x8x129xf32, #tpu.memory_space<vmem>>[vector<16xi32>, vector<16xi32>, vector<16xi32>, vector<16xi32>], vector<16xf32>,
        %parallel_loop3A_186 = arith.index_cast %parallel_loop3A_176 : i32 to index
        %parallel_loop3A_187 = arith.constant 16 : index
        %parallel_loop3A_188 = tpu.vector_load %arg7[%parallel_loop3A_186, %parallel_loop3A_187] {strides = array<i32>} : memref<1024x32xf32, #tpu.memory_space<vmem>>, vector<16xf32>,
        tpu.vector_store_idx %arg9[%add3A_7, %parallel_loop3A_181, %and3A_9, %parallel_loop3A_182], %parallel_loop3A_188 : memref<4x8x8x129xf32, #tpu.memory_space<vmem>>[vector<16xi32>, vector<16xi32>, vector<16xi32>, vector<16xi32>], vector<16xf32>,
      } {sc.loop_unroll_factor = 4 : i64, sc.parallel_access}
      %jit3A_77 = arith.constant 4 : i32
      %div3A_78 = arith.divsi %add3A_63, %jit3A_77 : i32
      %sign3A_79 = arith.constant 0 : i32
      %sign3A_80 = arith.cmpi sgt, %add3A_63, %sign3A_79 : i32
      %sign3A_81 = arith.extui %sign3A_80 : i1 to i32
      %sign3A_82 = arith.constant 0 : i32
      %sign3A_83 = arith.cmpi slt, %add3A_63, %sign3A_82 : i32
      %sign3A_84 = arith.extui %sign3A_83 : i1 to i32
      %sign3A_85 = arith.subi %sign3A_81, %sign3A_84 : i32
      %sign3A_86 = arith.constant 0 : i32
      %sign3A_87 = arith.cmpi sgt, %jit3A_77, %sign3A_86 : i32
      %sign3A_88 = arith.extui %sign3A_87 : i1 to i32
      %sign3A_89 = arith.constant 0 : i32
      %sign3A_90 = arith.cmpi slt, %jit3A_77, %sign3A_89 : i32
      %sign3A_91 = arith.extui %sign3A_90 : i1 to i32
      %sign3A_92 = arith.subi %sign3A_88, %sign3A_91 : i32
      %ne3A_93 = arith.cmpi ne, %sign3A_85, %sign3A_92 : i32
      %rem3A_94 = arith.remsi %add3A_63, %jit3A_77 : i32
      %ne3A_95 = arith.constant 0 : i32
      %ne3A_96 = arith.cmpi ne, %rem3A_94, %ne3A_95 : i32
      %and3A_97 = arith.andi %ne3A_93, %ne3A_96 : i1
      %sub3A_98 = arith.constant 1 : i32
      %sub3A_99 = arith.subi %div3A_78, %sub3A_98 : i32
      %select_n3A_100 = arith.select %and3A_97, %sub3A_99, %div3A_78 : i32
      %jit3A_101 = arith.constant 4 : i32
      %eq3A_102 = arith.constant 0 : i32
      %eq3A_103 = arith.cmpi eq, %jit3A_101, %eq3A_102 : i32
      %jit3A_104 = arith.constant 1 : i32
      %select_n3A_105 = arith.select %eq3A_103, %jit3A_104, %jit3A_101 : i32
      %rem3A_106 = arith.remsi %add3A_63, %select_n3A_105 : i32
      %ne3A_107 = arith.constant 0 : i32
      %ne3A_108 = arith.cmpi ne, %rem3A_106, %ne3A_107 : i32
      %lt3A_109 = arith.constant 0 : i32
      %lt3A_110 = arith.cmpi slt, %rem3A_106, %lt3A_109 : i32
      %lt3A_111 = arith.constant 0 : i32
      %lt3A_112 = arith.cmpi slt, %select_n3A_105, %lt3A_111 : i32
      %ne3A_113 = arith.xori %lt3A_110, %lt3A_112 : i1
      %and3A_114 = arith.andi %ne3A_113, %ne3A_108 : i1
      %add3A_115 = arith.addi %rem3A_106, %select_n3A_105 : i32
      %select_n3A_116 = arith.select %and3A_114, %add3A_115, %rem3A_106 : i32
      %mul3A_117 = arith.constant 8 : i32
      %mul3A_118 = arith.muli %select_n3A_116, %mul3A_117 : i32
      "tpu.region"() ({
        %run_scoped3A = tpu.sem_alloc : memref<!tpu.dma_semaphore, #tpu.memory_space<semaphore_mem>>
        %dma_start3A_176 = arith.constant 0 : i32
        %dma_start3A_177 = arith.constant 0 : i32
        %dma_start3A_178 = arith.constant 0 : i32
        %dma_start3A_179 = arith.constant 0 : i32
        %dma_start3A_180 = tpu.memref_slice %arg9[%dma_start3A_176, %dma_start3A_177, %dma_start3A_178, %dma_start3A_179] : memref<4x8x8x129xf32, #tpu.memory_space<vmem>> -> memref<4x8x8x128xf32, #tpu.memory_space<vmem>>
        %dma_start3A_181 = arith.constant 0 : i32
        %dma_start3A_182 = arith.constant 0 : i32
        %dma_start3A_183 = arith.constant 0 : i32
        %dma_start3A_184 = tpu.memref_slice %arg4[%select_n3A_100, %dma_start3A_181, %mul3A_118, %dma_start3A_182, %dma_start3A_183] : memref<200x4x32x8x128xf32, #tpu.memory_space<hbm>> -> memref<1x4x8x8x128xf32, #tpu.memory_space<hbm>>
        %dma_start3A_185 = tpu.memref_squeeze %dma_start3A_184 : memref<1x4x8x8x128xf32, #tpu.memory_space<hbm>> -> memref<4x8x8x128xf32, #tpu.memory_space<hbm>>
        %dma_start3A_186 = arith.constant 0 : i32
        %dma_start3A_187 = arith.constant 0 : i32
        %dma_start3A_188 = arith.constant 0 : i32
        %dma_start3A_189 = tpu.memref_slice %arg4[%select_n3A_100, %dma_start3A_186, %mul3A_118, %dma_start3A_187, %dma_start3A_188] : memref<200x4x32x8x128xf32, #tpu.memory_space<hbm>> -> memref<1x4x8x8x128xf32, #tpu.memory_space<hbm>>
        %dma_start3A_190 = tpu.memref_squeeze %dma_start3A_189 : memref<1x4x8x8x128xf32, #tpu.memory_space<hbm>> -> memref<4x8x8x128xf32, #tpu.memory_space<hbm>>
        %dma_start3A_191 = arith.constant 0 : i32
        %dma_start3A_192 = arith.constant 0 : i32
        %dma_start3A_193 = arith.constant 0 : i32
        %dma_start3A_194 = arith.constant 0 : i32
        %dma_start3A_195 = tpu.memref_slice %arg9[%dma_start3A_191, %dma_start3A_192, %dma_start3A_193, %dma_start3A_194] : memref<4x8x8x129xf32, #tpu.memory_space<vmem>> -> memref<4x8x8x128xf32, #tpu.memory_space<vmem>>
        tpu.enqueue_dma source(%dma_start3A_195 : memref<4x8x8x128xf32, #tpu.memory_space<vmem>>) target(%dma_start3A_190 : memref<4x8x8x128xf32, #tpu.memory_space<hbm>>) target_semaphore(%run_scoped3A : memref<!tpu.dma_semaphore, #tpu.memory_space<semaphore_mem>>)
        %dma_wait3A_196 = arith.constant 0 : i32
        %dma_wait3A_197 = arith.constant 0 : i32
        %dma_wait3A_198 = arith.constant 0 : i32
        %dma_wait3A_199 = arith.constant 0 : i32
        %dma_wait3A_200 = tpu.memref_slice %arg9[%dma_wait3A_196, %dma_wait3A_197, %dma_wait3A_198, %dma_wait3A_199] : memref<4x8x8x129xf32, #tpu.memory_space<vmem>> -> memref<4x8x8x128xf32, #tpu.memory_space<vmem>>
        %dma_wait3A_201 = arith.constant 0 : i32
        %dma_wait3A_202 = arith.constant 0 : i32
        %dma_wait3A_203 = arith.constant 0 : i32
        %dma_wait3A_204 = tpu.memref_slice %arg4[%select_n3A_100, %dma_wait3A_201, %mul3A_118, %dma_wait3A_202, %dma_wait3A_203] : memref<200x4x32x8x128xf32, #tpu.memory_space<hbm>> -> memref<1x4x8x8x128xf32, #tpu.memory_space<hbm>>
        %dma_wait3A_205 = tpu.memref_squeeze %dma_wait3A_204 : memref<1x4x8x8x128xf32, #tpu.memory_space<hbm>> -> memref<4x8x8x128xf32, #tpu.memory_space<hbm>>
        %dma_wait3A_206 = arith.constant 0 : i32
        %dma_wait3A_207 = arith.constant 0 : i32
        %dma_wait3A_208 = arith.constant 0 : i32
        %dma_wait3A_209 = tpu.memref_slice %arg4[%select_n3A_100, %dma_wait3A_206, %mul3A_118, %dma_wait3A_207, %dma_wait3A_208] : memref<200x4x32x8x128xf32, #tpu.memory_space<hbm>> -> memref<1x4x8x8x128xf32, #tpu.memory_space<hbm>>
        %dma_wait3A_210 = tpu.memref_squeeze %dma_wait3A_209 : memref<1x4x8x8x128xf32, #tpu.memory_space<hbm>> -> memref<4x8x8x128xf32, #tpu.memory_space<hbm>>
        %dma_wait3A_211 = arith.constant 0 : i32
        %dma_wait3A_212 = arith.constant 0 : i32
        %dma_wait3A_213 = arith.constant 0 : i32
        %dma_wait3A_214 = arith.constant 0 : i32
        %dma_wait3A_215 = tpu.memref_slice %arg9[%dma_wait3A_211, %dma_wait3A_212, %dma_wait3A_213, %dma_wait3A_214] : memref<4x8x8x129xf32, #tpu.memory_space<vmem>> -> memref<4x8x8x128xf32, #tpu.memory_space<vmem>>
        tpu.wait_dma2 semaphore(%run_scoped3A : memref<!tpu.dma_semaphore, #tpu.memory_space<semaphore_mem>>) src(%dma_wait3A_215 : memref<4x8x8x128xf32, #tpu.memory_space<vmem>>) dst(%dma_wait3A_210 : memref<4x8x8x128xf32, #tpu.memory_space<hbm>>)
        tpu.yield
      }) : () -> ()
      %add3A_119 = arith.constant 2 : i32
      %add3A_120 = arith.addi %add3A_63, %add3A_119 : i32
      %mul3A_121 = arith.constant 1024 : i32
      %mul3A_122 = arith.muli %add3A_120, %mul3A_121 : i32
      "tpu.region"() ({
        %run_scoped3A = tpu.sem_alloc : memref<!tpu.dma_semaphore, #tpu.memory_space<semaphore_mem>>
        %dma_start3A_176 = tpu.memref_slice %arg2[%mul3A_122] : memref<819200xi32, #tpu.memory_space<hbm>> -> memref<1024xi32, #tpu.memory_space<hbm>>
        %dma_start3A_177 = tpu.memref_slice %arg2[%mul3A_122] : memref<819200xi32, #tpu.memory_space<hbm>> -> memref<1024xi32, #tpu.memory_space<hbm>>
        tpu.enqueue_dma source(%dma_start3A_177 : memref<1024xi32, #tpu.memory_space<hbm>>) target(%arg5 : memref<1024xi32, #tpu.memory_space<vmem>>) target_semaphore(%run_scoped3A : memref<!tpu.dma_semaphore, #tpu.memory_space<semaphore_mem>>)
        %dma_wait3A_178 = tpu.memref_slice %arg2[%mul3A_122] : memref<819200xi32, #tpu.memory_space<hbm>> -> memref<1024xi32, #tpu.memory_space<hbm>>
        %dma_wait3A_179 = tpu.memref_slice %arg2[%mul3A_122] : memref<819200xi32, #tpu.memory_space<hbm>> -> memref<1024xi32, #tpu.memory_space<hbm>>
        tpu.wait_dma2 semaphore(%run_scoped3A : memref<!tpu.dma_semaphore, #tpu.memory_space<semaphore_mem>>) src(%dma_wait3A_179 : memref<1024xi32, #tpu.memory_space<hbm>>) dst(%arg5 : memref<1024xi32, #tpu.memory_space<vmem>>)
        tpu.yield
      }) : () -> ()
      %dma_start3A_123 = arith.constant 0 : i32
      %dma_start3A_124 = arith.constant 0 : i32
      %dma_start3A_125 = tpu.memref_slice %arg3[%dma_start3A_123, %dma_start3A_124] : memref<1000000x32xf32, #tpu.memory_space<hbm>> -> memref<1000000x32xf32, #tpu.memory_space<hbm>>
      tpu.enqueue_indirect_dma source(%dma_start3A_125 : memref<1000000x32xf32, #tpu.memory_space<hbm>>) target(%arg7 : memref<1024x32xf32, #tpu.memory_space<vmem>>) offsets(%arg5 : memref<1024xi32, #tpu.memory_space<vmem>>) semaphore(%arg10 : memref<!tpu.dma_semaphore, #tpu.memory_space<semaphore_mem>>)
      %dma_wait3A_126 = arith.constant 0 : i32
      %dma_wait3A_127 = arith.constant 0 : i32
      %dma_wait3A_128 = tpu.memref_slice %arg3[%dma_wait3A_126, %dma_wait3A_127] : memref<1000000x32xf32, #tpu.memory_space<hbm>> -> memref<1000000x32xf32, #tpu.memory_space<hbm>>
      tpu.wait_indirect_dma semaphore(%arg11 : memref<!tpu.dma_semaphore, #tpu.memory_space<semaphore_mem>>) src(%dma_wait3A_128 : memref<1000000x32xf32, #tpu.memory_space<hbm>>) dst(%arg8 : memref<1024x32xf32, #tpu.memory_space<vmem>>)
      %parallel_loop3A_129 = arith.constant 0 : i32
      %parallel_loop3A_130 = arith.constant 1024 : i32
      %parallel_loop3A_131 = arith.constant 1 : i32
      scf.for %parallel_loop3A_176 = %parallel_loop3A_129 to %parallel_loop3A_130 step %parallel_loop3A_131  : i32 {
        %parallel_loop3A_177 = arith.constant 7 : i32
        %parallel_loop3A_178 = arith.shrui %parallel_loop3A_176, %parallel_loop3A_177 : i32
        %parallel_loop3A_179 = arith.constant 127 : i32
        %parallel_loop3A_180 = arith.andi %parallel_loop3A_176, %parallel_loop3A_179 : i32
        %parallel_loop3A_181 = vector.broadcast %parallel_loop3A_178 : i32 to vector<16xi32>
        %parallel_loop3A_182 = vector.broadcast %parallel_loop3A_180 : i32 to vector<16xi32>
        %parallel_loop3A_183 = arith.index_cast %parallel_loop3A_176 : i32 to index
        %parallel_loop3A_184 = arith.constant 0 : index
        %parallel_loop3A_185 = tpu.vector_load %arg8[%parallel_loop3A_183, %parallel_loop3A_184] {strides = array<i32>} : memref<1024x32xf32, #tpu.memory_space<vmem>>, vector<16xf32>,
        tpu.vector_store_idx %arg9[%shift_right_logical3A_4, %parallel_loop3A_181, %and3A_9, %parallel_loop3A_182], %parallel_loop3A_185 : memref<4x8x8x129xf32, #tpu.memory_space<vmem>>[vector<16xi32>, vector<16xi32>, vector<16xi32>, vector<16xi32>], vector<16xf32>,
        %parallel_loop3A_186 = arith.index_cast %parallel_loop3A_176 : i32 to index
        %parallel_loop3A_187 = arith.constant 16 : index
        %parallel_loop3A_188 = tpu.vector_load %arg8[%parallel_loop3A_186, %parallel_loop3A_187] {strides = array<i32>} : memref<1024x32xf32, #tpu.memory_space<vmem>>, vector<16xf32>,
        tpu.vector_store_idx %arg9[%add3A_7, %parallel_loop3A_181, %and3A_9, %parallel_loop3A_182], %parallel_loop3A_188 : memref<4x8x8x129xf32, #tpu.memory_space<vmem>>[vector<16xi32>, vector<16xi32>, vector<16xi32>, vector<16xi32>], vector<16xf32>,
      } {sc.loop_unroll_factor = 4 : i64, sc.parallel_access}
      %add3A_132 = arith.constant 1 : i32
      %add3A_133 = arith.addi %add3A_63, %add3A_132 : i32
      %jit3A_134 = arith.constant 4 : i32
      %div3A_135 = arith.divsi %add3A_133, %jit3A_134 : i32
      %sign3A_136 = arith.constant 0 : i32
      %sign3A_137 = arith.cmpi sgt, %add3A_133, %sign3A_136 : i32
      %sign3A_138 = arith.extui %sign3A_137 : i1 to i32
      %sign3A_139 = arith.constant 0 : i32
      %sign3A_140 = arith.cmpi slt, %add3A_133, %sign3A_139 : i32
      %sign3A_141 = arith.extui %sign3A_140 : i1 to i32
      %sign3A_142 = arith.subi %sign3A_138, %sign3A_141 : i32
      %sign3A_143 = arith.constant 0 : i32
      %sign3A_144 = arith.cmpi sgt, %jit3A_134, %sign3A_143 : i32
      %sign3A_145 = arith.extui %sign3A_144 : i1 to i32
      %sign3A_146 = arith.constant 0 : i32
      %sign3A_147 = arith.cmpi slt, %jit3A_134, %sign3A_146 : i32
      %sign3A_148 = arith.extui %sign3A_147 : i1 to i32
      %sign3A_149 = arith.subi %sign3A_145, %sign3A_148 : i32
      %ne3A_150 = arith.cmpi ne, %sign3A_142, %sign3A_149 : i32
      %rem3A_151 = arith.remsi %add3A_133, %jit3A_134 : i32
      %ne3A_152 = arith.constant 0 : i32
      %ne3A_153 = arith.cmpi ne, %rem3A_151, %ne3A_152 : i32
      %and3A_154 = arith.andi %ne3A_150, %ne3A_153 : i1
      %sub3A_155 = arith.constant 1 : i32
      %sub3A_156 = arith.subi %div3A_135, %sub3A_155 : i32
      %select_n3A_157 = arith.select %and3A_154, %sub3A_156, %div3A_135 : i32
      %jit3A_158 = arith.constant 4 : i32
      %eq3A_159 = arith.constant 0 : i32
      %eq3A_160 = arith.cmpi eq, %jit3A_158, %eq3A_159 : i32
      %jit3A_161 = arith.constant 1 : i32
      %select_n3A_162 = arith.select %eq3A_160, %jit3A_161, %jit3A_158 : i32
      %rem3A_163 = arith.remsi %add3A_133, %select_n3A_162 : i32
      %ne3A_164 = arith.constant 0 : i32
      %ne3A_165 = arith.cmpi ne, %rem3A_163, %ne3A_164 : i32
      %lt3A_166 = arith.constant 0 : i32
      %lt3A_167 = arith.cmpi slt, %rem3A_163, %lt3A_166 : i32
      %lt3A_168 = arith.constant 0 : i32
      %lt3A_169 = arith.cmpi slt, %select_n3A_162, %lt3A_168 : i32
      %ne3A_170 = arith.xori %lt3A_167, %lt3A_169 : i1
      %and3A_171 = arith.andi %ne3A_170, %ne3A_165 : i1
      %add3A_172 = arith.addi %rem3A_163, %select_n3A_162 : i32
      %select_n3A_173 = arith.select %and3A_171, %add3A_172, %rem3A_163 : i32
      %mul3A_174 = arith.constant 8 : i32
      %mul3A_175 = arith.muli %select_n3A_173, %mul3A_174 : i32
      "tpu.region"() ({
        %run_scoped3A = tpu.sem_alloc : memref<!tpu.dma_semaphore, #tpu.memory_space<semaphore_mem>>
        %dma_start3A_176 = arith.constant 0 : i32
        %dma_start3A_177 = arith.constant 0 : i32
        %dma_start3A_178 = arith.constant 0 : i32
        %dma_start3A_179 = arith.constant 0 : i32
        %dma_start3A_180 = tpu.memref_slice %arg9[%dma_start3A_176, %dma_start3A_177, %dma_start3A_178, %dma_start3A_179] : memref<4x8x8x129xf32, #tpu.memory_space<vmem>> -> memref<4x8x8x128xf32, #tpu.memory_space<vmem>>
        %dma_start3A_181 = arith.constant 0 : i32
        %dma_start3A_182 = arith.constant 0 : i32
        %dma_start3A_183 = arith.constant 0 : i32
        %dma_start3A_184 = tpu.memref_slice %arg4[%select_n3A_157, %dma_start3A_181, %mul3A_175, %dma_start3A_182, %dma_start3A_183] : memref<200x4x32x8x128xf32, #tpu.memory_space<hbm>> -> memref<1x4x8x8x128xf32, #tpu.memory_space<hbm>>
        %dma_start3A_185 = tpu.memref_squeeze %dma_start3A_184 : memref<1x4x8x8x128xf32, #tpu.memory_space<hbm>> -> memref<4x8x8x128xf32, #tpu.memory_space<hbm>>
        %dma_start3A_186 = arith.constant 0 : i32
        %dma_start3A_187 = arith.constant 0 : i32
        %dma_start3A_188 = arith.constant 0 : i32
        %dma_start3A_189 = tpu.memref_slice %arg4[%select_n3A_157, %dma_start3A_186, %mul3A_175, %dma_start3A_187, %dma_start3A_188] : memref<200x4x32x8x128xf32, #tpu.memory_space<hbm>> -> memref<1x4x8x8x128xf32, #tpu.memory_space<hbm>>
        %dma_start3A_190 = tpu.memref_squeeze %dma_start3A_189 : memref<1x4x8x8x128xf32, #tpu.memory_space<hbm>> -> memref<4x8x8x128xf32, #tpu.memory_space<hbm>>
        %dma_start3A_191 = arith.constant 0 : i32
        %dma_start3A_192 = arith.constant 0 : i32
        %dma_start3A_193 = arith.constant 0 : i32
        %dma_start3A_194 = arith.constant 0 : i32
        %dma_start3A_195 = tpu.memref_slice %arg9[%dma_start3A_191, %dma_start3A_192, %dma_start3A_193, %dma_start3A_194] : memref<4x8x8x129xf32, #tpu.memory_space<vmem>> -> memref<4x8x8x128xf32, #tpu.memory_space<vmem>>
        tpu.enqueue_dma source(%dma_start3A_195 : memref<4x8x8x128xf32, #tpu.memory_space<vmem>>) target(%dma_start3A_190 : memref<4x8x8x128xf32, #tpu.memory_space<hbm>>) target_semaphore(%run_scoped3A : memref<!tpu.dma_semaphore, #tpu.memory_space<semaphore_mem>>)
        %dma_wait3A_196 = arith.constant 0 : i32
        %dma_wait3A_197 = arith.constant 0 : i32
        %dma_wait3A_198 = arith.constant 0 : i32
        %dma_wait3A_199 = arith.constant 0 : i32
        %dma_wait3A_200 = tpu.memref_slice %arg9[%dma_wait3A_196, %dma_wait3A_197, %dma_wait3A_198, %dma_wait3A_199] : memref<4x8x8x129xf32, #tpu.memory_space<vmem>> -> memref<4x8x8x128xf32, #tpu.memory_space<vmem>>
        %dma_wait3A_201 = arith.constant 0 : i32
        %dma_wait3A_202 = arith.constant 0 : i32
        %dma_wait3A_203 = arith.constant 0 : i32
        %dma_wait3A_204 = tpu.memref_slice %arg4[%select_n3A_157, %dma_wait3A_201, %mul3A_175, %dma_wait3A_202, %dma_wait3A_203] : memref<200x4x32x8x128xf32, #tpu.memory_space<hbm>> -> memref<1x4x8x8x128xf32, #tpu.memory_space<hbm>>
        %dma_wait3A_205 = tpu.memref_squeeze %dma_wait3A_204 : memref<1x4x8x8x128xf32, #tpu.memory_space<hbm>> -> memref<4x8x8x128xf32, #tpu.memory_space<hbm>>
        %dma_wait3A_206 = arith.constant 0 : i32
        %dma_wait3A_207 = arith.constant 0 : i32
        %dma_wait3A_208 = arith.constant 0 : i32
        %dma_wait3A_209 = tpu.memref_slice %arg4[%select_n3A_157, %dma_wait3A_206, %mul3A_175, %dma_wait3A_207, %dma_wait3A_208] : memref<200x4x32x8x128xf32, #tpu.memory_space<hbm>> -> memref<1x4x8x8x128xf32, #tpu.memory_space<hbm>>
        %dma_wait3A_210 = tpu.memref_squeeze %dma_wait3A_209 : memref<1x4x8x8x128xf32, #tpu.memory_space<hbm>> -> memref<4x8x8x128xf32, #tpu.memory_space<hbm>>
        %dma_wait3A_211 = arith.constant 0 : i32
        %dma_wait3A_212 = arith.constant 0 : i32
        %dma_wait3A_213 = arith.constant 0 : i32
        %dma_wait3A_214 = arith.constant 0 : i32
        %dma_wait3A_215 = tpu.memref_slice %arg9[%dma_wait3A_211, %dma_wait3A_212, %dma_wait3A_213, %dma_wait3A_214] : memref<4x8x8x129xf32, #tpu.memory_space<vmem>> -> memref<4x8x8x128xf32, #tpu.memory_space<vmem>>
        tpu.wait_dma2 semaphore(%run_scoped3A : memref<!tpu.dma_semaphore, #tpu.memory_space<semaphore_mem>>) src(%dma_wait3A_215 : memref<4x8x8x128xf32, #tpu.memory_space<vmem>>) dst(%dma_wait3A_210 : memref<4x8x8x128xf32, #tpu.memory_space<hbm>>)
        tpu.yield
      }) : () -> ()
    }
    %scan3A_18 = arith.constant 12 : i32
    %add3A_19 = arith.constant 25 : i32
    %add3A_20 = arith.addi %mul3A_2, %add3A_19 : i32
    %sub3A = arith.constant 1 : i32
    %sub3A_21 = arith.subi %add3A_20, %sub3A : i32
    %dma_wait3A = arith.constant 0 : i32
    %dma_wait3A_22 = arith.constant 0 : i32
    %dma_wait3A_23 = tpu.memref_slice %arg3[%dma_wait3A, %dma_wait3A_22] : memref<1000000x32xf32, #tpu.memory_space<hbm>> -> memref<1000000x32xf32, #tpu.memory_space<hbm>>
    tpu.wait_indirect_dma semaphore(%arg10 : memref<!tpu.dma_semaphore, #tpu.memory_space<semaphore_mem>>) src(%dma_wait3A_23 : memref<1000000x32xf32, #tpu.memory_space<hbm>>) dst(%arg7 : memref<1024x32xf32, #tpu.memory_space<vmem>>)
    %parallel_loop3A = arith.constant 0 : i32
    %parallel_loop3A_24 = arith.constant 1024 : i32
    %parallel_loop3A_25 = arith.constant 1 : i32
    scf.for %parallel_loop3A_60 = %parallel_loop3A to %parallel_loop3A_24 step %parallel_loop3A_25  : i32 {
      %parallel_loop3A_61 = arith.constant 7 : i32
      %parallel_loop3A_62 = arith.shrui %parallel_loop3A_60, %parallel_loop3A_61 : i32
      %parallel_loop3A_63 = arith.constant 127 : i32
      %parallel_loop3A_64 = arith.andi %parallel_loop3A_60, %parallel_loop3A_63 : i32
      %parallel_loop3A_65 = vector.broadcast %parallel_loop3A_62 : i32 to vector<16xi32>
      %parallel_loop3A_66 = vector.broadcast %parallel_loop3A_64 : i32 to vector<16xi32>
      %parallel_loop3A_67 = arith.index_cast %parallel_loop3A_60 : i32 to index
      %parallel_loop3A_68 = arith.constant 0 : index
      %parallel_loop3A_69 = tpu.vector_load %arg7[%parallel_loop3A_67, %parallel_loop3A_68] {strides = array<i32>} : memref<1024x32xf32, #tpu.memory_space<vmem>>, vector<16xf32>,
      tpu.vector_store_idx %arg9[%shift_right_logical3A_4, %parallel_loop3A_65, %and3A_9, %parallel_loop3A_66], %parallel_loop3A_69 : memref<4x8x8x129xf32, #tpu.memory_space<vmem>>[vector<16xi32>, vector<16xi32>, vector<16xi32>, vector<16xi32>], vector<16xf32>,
      %parallel_loop3A_70 = arith.index_cast %parallel_loop3A_60 : i32 to index
      %parallel_loop3A_71 = arith.constant 16 : index
      %parallel_loop3A_72 = tpu.vector_load %arg7[%parallel_loop3A_70, %parallel_loop3A_71] {strides = array<i32>} : memref<1024x32xf32, #tpu.memory_space<vmem>>, vector<16xf32>,
      tpu.vector_store_idx %arg9[%add3A_7, %parallel_loop3A_65, %and3A_9, %parallel_loop3A_66], %parallel_loop3A_72 : memref<4x8x8x129xf32, #tpu.memory_space<vmem>>[vector<16xi32>, vector<16xi32>, vector<16xi32>, vector<16xi32>], vector<16xf32>,
    } {sc.loop_unroll_factor = 4 : i64, sc.parallel_access}
    %jit3A = arith.constant 4 : i32
    %div3A = arith.divsi %sub3A_21, %jit3A : i32
    %sign3A = arith.constant 0 : i32
    %sign3A_26 = arith.cmpi sgt, %sub3A_21, %sign3A : i32
    %sign3A_27 = arith.extui %sign3A_26 : i1 to i32
    %sign3A_28 = arith.constant 0 : i32
    %sign3A_29 = arith.cmpi slt, %sub3A_21, %sign3A_28 : i32
    %sign3A_30 = arith.extui %sign3A_29 : i1 to i32
    %sign3A_31 = arith.subi %sign3A_27, %sign3A_30 : i32
    %sign3A_32 = arith.constant 0 : i32
    %sign3A_33 = arith.cmpi sgt, %jit3A, %sign3A_32 : i32
    %sign3A_34 = arith.extui %sign3A_33 : i1 to i32
    %sign3A_35 = arith.constant 0 : i32
    %sign3A_36 = arith.cmpi slt, %jit3A, %sign3A_35 : i32
    %sign3A_37 = arith.extui %sign3A_36 : i1 to i32
    %sign3A_38 = arith.subi %sign3A_34, %sign3A_37 : i32
    %ne3A = arith.cmpi ne, %sign3A_31, %sign3A_38 : i32
    %rem3A = arith.remsi %sub3A_21, %jit3A : i32
    %ne3A_39 = arith.constant 0 : i32
    %ne3A_40 = arith.cmpi ne, %rem3A, %ne3A_39 : i32
    %and3A_41 = arith.andi %ne3A, %ne3A_40 : i1
    %sub3A_42 = arith.constant 1 : i32
    %sub3A_43 = arith.subi %div3A, %sub3A_42 : i32
    %select_n3A = arith.select %and3A_41, %sub3A_43, %div3A : i32
    %jit3A_44 = arith.constant 4 : i32
    %eq3A = arith.constant 0 : i32
    %eq3A_45 = arith.cmpi eq, %jit3A_44, %eq3A : i32
    %jit3A_46 = arith.constant 1 : i32
    %select_n3A_47 = arith.select %eq3A_45, %jit3A_46, %jit3A_44 : i32
    %rem3A_48 = arith.remsi %sub3A_21, %select_n3A_47 : i32
    %ne3A_49 = arith.constant 0 : i32
    %ne3A_50 = arith.cmpi ne, %rem3A_48, %ne3A_49 : i32
    %lt3A = arith.constant 0 : i32
    %lt3A_51 = arith.cmpi slt, %rem3A_48, %lt3A : i32
    %lt3A_52 = arith.constant 0 : i32
    %lt3A_53 = arith.cmpi slt, %select_n3A_47, %lt3A_52 : i32
    %ne3A_54 = arith.xori %lt3A_51, %lt3A_53 : i1
    %and3A_55 = arith.andi %ne3A_54, %ne3A_50 : i1
    %add3A_56 = arith.addi %rem3A_48, %select_n3A_47 : i32
    %select_n3A_57 = arith.select %and3A_55, %add3A_56, %rem3A_48 : i32
    %mul3A_58 = arith.constant 8 : i32
    %mul3A_59 = arith.muli %select_n3A_57, %mul3A_58 : i32
    "tpu.region"() ({
      %run_scoped3A = tpu.sem_alloc : memref<!tpu.dma_semaphore, #tpu.memory_space<semaphore_mem>>
      %dma_start3A_60 = arith.constant 0 : i32
      %dma_start3A_61 = arith.constant 0 : i32
      %dma_start3A_62 = arith.constant 0 : i32
      %dma_start3A_63 = arith.constant 0 : i32
      %dma_start3A_64 = tpu.memref_slice %arg9[%dma_start3A_60, %dma_start3A_61, %dma_start3A_62, %dma_start3A_63] : memref<4x8x8x129xf32, #tpu.memory_space<vmem>> -> memref<4x8x8x128xf32, #tpu.memory_space<vmem>>
      %dma_start3A_65 = arith.constant 0 : i32
      %dma_start3A_66 = arith.constant 0 : i32
      %dma_start3A_67 = arith.constant 0 : i32
      %dma_start3A_68 = tpu.memref_slice %arg4[%select_n3A, %dma_start3A_65, %mul3A_59, %dma_start3A_66, %dma_start3A_67] : memref<200x4x32x8x128xf32, #tpu.memory_space<hbm>> -> memref<1x4x8x8x128xf32, #tpu.memory_space<hbm>>
      %dma_start3A_69 = tpu.memref_squeeze %dma_start3A_68 : memref<1x4x8x8x128xf32, #tpu.memory_space<hbm>> -> memref<4x8x8x128xf32, #tpu.memory_space<hbm>>
      %dma_start3A_70 = arith.constant 0 : i32
      %dma_start3A_71 = arith.constant 0 : i32
      %dma_start3A_72 = arith.constant 0 : i32
      %dma_start3A_73 = tpu.memref_slice %arg4[%select_n3A, %dma_start3A_70, %mul3A_59, %dma_start3A_71, %dma_start3A_72] : memref<200x4x32x8x128xf32, #tpu.memory_space<hbm>> -> memref<1x4x8x8x128xf32, #tpu.memory_space<hbm>>
      %dma_start3A_74 = tpu.memref_squeeze %dma_start3A_73 : memref<1x4x8x8x128xf32, #tpu.memory_space<hbm>> -> memref<4x8x8x128xf32, #tpu.memory_space<hbm>>
      %dma_start3A_75 = arith.constant 0 : i32
      %dma_start3A_76 = arith.constant 0 : i32
      %dma_start3A_77 = arith.constant 0 : i32
      %dma_start3A_78 = arith.constant 0 : i32
      %dma_start3A_79 = tpu.memref_slice %arg9[%dma_start3A_75, %dma_start3A_76, %dma_start3A_77, %dma_start3A_78] : memref<4x8x8x129xf32, #tpu.memory_space<vmem>> -> memref<4x8x8x128xf32, #tpu.memory_space<vmem>>
      tpu.enqueue_dma source(%dma_start3A_79 : memref<4x8x8x128xf32, #tpu.memory_space<vmem>>) target(%dma_start3A_74 : memref<4x8x8x128xf32, #tpu.memory_space<hbm>>) target_semaphore(%run_scoped3A : memref<!tpu.dma_semaphore, #tpu.memory_space<semaphore_mem>>)
      %dma_wait3A_80 = arith.constant 0 : i32
      %dma_wait3A_81 = arith.constant 0 : i32
      %dma_wait3A_82 = arith.constant 0 : i32
      %dma_wait3A_83 = arith.constant 0 : i32
      %dma_wait3A_84 = tpu.memref_slice %arg9[%dma_wait3A_80, %dma_wait3A_81, %dma_wait3A_82, %dma_wait3A_83] : memref<4x8x8x129xf32, #tpu.memory_space<vmem>> -> memref<4x8x8x128xf32, #tpu.memory_space<vmem>>
      %dma_wait3A_85 = arith.constant 0 : i32
      %dma_wait3A_86 = arith.constant 0 : i32
      %dma_wait3A_87 = arith.constant 0 : i32
      %dma_wait3A_88 = tpu.memref_slice %arg4[%select_n3A, %dma_wait3A_85, %mul3A_59, %dma_wait3A_86, %dma_wait3A_87] : memref<200x4x32x8x128xf32, #tpu.memory_space<hbm>> -> memref<1x4x8x8x128xf32, #tpu.memory_space<hbm>>
      %dma_wait3A_89 = tpu.memref_squeeze %dma_wait3A_88 : memref<1x4x8x8x128xf32, #tpu.memory_space<hbm>> -> memref<4x8x8x128xf32, #tpu.memory_space<hbm>>
      %dma_wait3A_90 = arith.constant 0 : i32
      %dma_wait3A_91 = arith.constant 0 : i32
      %dma_wait3A_92 = arith.constant 0 : i32
      %dma_wait3A_93 = tpu.memref_slice %arg4[%select_n3A, %dma_wait3A_90, %mul3A_59, %dma_wait3A_91, %dma_wait3A_92] : memref<200x4x32x8x128xf32, #tpu.memory_space<hbm>> -> memref<1x4x8x8x128xf32, #tpu.memory_space<hbm>>
      %dma_wait3A_94 = tpu.memref_squeeze %dma_wait3A_93 : memref<1x4x8x8x128xf32, #tpu.memory_space<hbm>> -> memref<4x8x8x128xf32, #tpu.memory_space<hbm>>
      %dma_wait3A_95 = arith.constant 0 : i32
      %dma_wait3A_96 = arith.constant 0 : i32
      %dma_wait3A_97 = arith.constant 0 : i32
      %dma_wait3A_98 = arith.constant 0 : i32
      %dma_wait3A_99 = tpu.memref_slice %arg9[%dma_wait3A_95, %dma_wait3A_96, %dma_wait3A_97, %dma_wait3A_98] : memref<4x8x8x129xf32, #tpu.memory_space<vmem>> -> memref<4x8x8x128xf32, #tpu.memory_space<vmem>>
      tpu.wait_dma2 semaphore(%run_scoped3A : memref<!tpu.dma_semaphore, #tpu.memory_space<semaphore_mem>>) src(%dma_wait3A_99 : memref<4x8x8x128xf32, #tpu.memory_space<vmem>>) dst(%dma_wait3A_94 : memref<4x8x8x128xf32, #tpu.memory_space<hbm>>)
      tpu.yield
    }) : () -> ()
    return
  }
}

</mosaic_0001>

<sc_bundles>
// kernel: kernel.3.cloned.1.call-start
scs
__scs_entry_jumppad:
0x0: {  	(pc) =	sbr.rel $0x88, $3  }
0x1: {  	(tag) =	ssettag $0x0;
	lr =	simm.s32 $0x1  }
0x2: {  	[smem:$0x3F9F] =	sst lr;
	_ =	strace $0xD0000000  }
0x3: {  	_ = 	snop  }
0x4: {  	_ = 	snop  }
0x5: {  	_ = 	snop  }
0x6: {  	_ = 	snop  }
0x7: {  	_ = 	snop  }
__scs_overlays_trampoline_lowered:
0x8: {  	[smem:$0x3FAE] =	sst s0  }
0x9: {  	[smem:$0x3FAF] =	sst s1  }
0xa: {  	[smem:$0x3FB0] =	sst s2  }
0xb: {  	[smem:$0x3FB1] =	sst s3  }
0xc: {  	[smem:$0x3FB2] =	sst s4  }
0xd: {  	[smem:$0x3FB3] =	sst s5  }
0xe: {  	[smem:$0x3FB4] =	sst s6  }
0xf: {  	[smem:$0x3FB5] =	sst s7  }
0x10: {  	[smem:$0x3FB6] =	sst s8  }
0x11: {  	[smem:$0x3FB7] =	sst s9;
	s0 =	simm.s32 @!p0 $0x0  }
0x12: {  	s1 =	sld [smem:$0x3F9D];
	s0 =	simm.s32 @p0 $0x1  }
0x13: {  	[smem:$0x3FB8] =	sst s0;
	s0 =	simm.s32 @!p1 $0x0  }
0x14: {  	s2 =	sld [smem:$0x3F9C];
	s0 =	simm.s32 @p1 $0x1  }
0x15: {  	[smem:$0x3FB9] =	sst s0;
	s0 =	simm.s32 @!p2 $0x0  }
0x16: {  	s3 =	sld [smem:$0x3FDB];
	s0 =	simm.s32 @p2 $0x1  }
0x17: {  	s4 =	simm.s32 $0x1BF5;
	[smem:$0x3FBB] =	sst s0  }
0x18: {  	s0 =	sld [smem:$0x3F9E];
	_ =	swait.ge [sflag:s4], $0x0  }
0x19: {  	s7 =	sld [smem:$0x3F9F]  }
0x1a: {  	s8 =	sadd.s32 $0xFFFFE003, lr  }
0x1b: {  	s9 =	sadd.s32 $0xFFFFFEF7, lr;
	s5 =	simm.s32 $0xFFFFFFFF;
	p2 =	slt.u32 s8, $0xFFFFF086  }
0x1c: {  	p1 =	slt.u32 s9, $0xF7A;
	s5 =	simm.s32 @!p2 $0x0  }
0x1d: {  	s5 =	simm.s32 @p1 $0x1;
	p0 =	seq.s32 s7, s2  }
0x1e: {  	s7 =	smul.u32 @!p0 $0xF7A, s2;
	p2 =	seq.s32 @!p0 s5, $0x0  }
0x1f: {  	s9 =	smul.u32 $0xF7A, s1;
	s8 =	simm.s32 @!p0 $0x1BF5;
	p2 =	por !p2, p0  }
0x20: {  	[sflag:s8] =	ssyncset.s32 @!p0 $0xFFFFF086;
	s6 =	sadd.s32 @!p0 s3, s7;
	s7 =	simm.s32 @!p0 $0x108  }
0x21: {  	s3 =	sadd.s32 s3, s9;
	s6 =	sadd.s32 @!p0 $0x88, s6;
	s7 =	simm.s32 @p2 $0x1082  }
0x22: {  	[simem:s7], [sflag:s8] =	dma.local @!p0 [hbm:s6], $0xF7A  }
0x23: {  	s9 =	sor.u32 $0xD0000000, s2;
	s6 =	simm.s32 $0x108;
	_ =	swait.ge @!p0 [sflag:s8], $0x0  }
0x24: {  	s3 =	sadd.s32 $0x88, s3;
	s6 =	simm.s32 @!p1 $0x1082;
	[sflag:s4] =	ssyncset.s32 $0xFFFFF086  }
0x25: {  	[simem:s6], [sflag:s4] =	dma.local [hbm:s3], $0xF7A  }
0x26: {  	[smem:$0x3F9F] =	sst s1;
	(tag) =	ssettag s2;
	_ =	strace s9  }
0x27: {  	s1 =	sld [smem:$0x3FAF]  }
0x28: {  	s2 =	sld [smem:$0x3FB0]  }
0x29: {  	s4 =	sld [smem:$0x3FB2]  }
0x2a: {  	p0 =	seq.s32 s5, $0x0;
	s5 =	sld [smem:$0x3FB3]  }
0x2b: {  	s6 =	sld [smem:$0x3FB4]  }
0x2c: {  	s7 =	sld [smem:$0x3FB5]  }
0x2d: {  	s3 =	simm.s32 $0x108;
	s8 =	sld [smem:$0x3FB6]  }
0x2e: {  	s3 =	simm.s32 @!p0 $0x1082;
	s9 =	sld [smem:$0x3FB7]  }
0x2f: {  	lr =	sadd.s32 s0, s3;
	s0 =	sld [smem:$0x3FAE]  }
0x30: {  	s3 =	sld [smem:$0x3FB1]  }
0x31: {  	[smem:$0x3FBA] =	sst s10  }
0x32: {  	s10 =	sld [smem:$0x3FB8];
	_ =	sdelay $0x3  }
0x33: {  	p0 =	seq.s32 s10, $0x1;
	s10 =	sld [smem:$0x3FBA];
	_ =	sdelay $0x3  }
0x34: {  	[smem:$0x3FBA] =	sst s10  }
0x35: {  	s10 =	sld [smem:$0x3FB9];
	_ =	sdelay $0x3  }
0x36: {  	p1 =	seq.s32 s10, $0x1;
	s10 =	sld [smem:$0x3FBA];
	_ =	sdelay $0x3  }
0x37: {  	[smem:$0x3FBA] =	sst s10  }
0x38: {  	s10 =	sld [smem:$0x3FBB]  }
0x39: {  	_ = 	snop;
	(pc) =	sbr.ind lr, $3  }
0x3a: {  	_ = 	snop  }
0x3b: {  	_ = 	snop  }
0x3c: {  	p2 =	seq.s32 s10, $0x1;
	s10 =	sld [smem:$0x3FBA]  }
0x3d: {  	_ =	shalt  }
0x3e: {  	_ =	shalt  }
0x3f: {  	_ =	shalt  }
0x40: {  	_ =	shalt  }
0x41: {  	_ =	shalt  }
0x42: {  	_ =	shalt  }
0x43: {  	_ =	shalt  }
0x44: {  	_ =	shalt  }
0x45: {  	_ =	shalt  }
0x46: {  	_ =	shalt  }
0x47: {  	_ =	shalt  }
0x48: {  	_ =	shalt  }
0x49: {  	_ =	shalt  }
0x4a: {  	_ =	shalt  }
0x4b: {  	_ =	shalt  }
0x4c: {  	_ =	shalt  }
0x4d: {  	_ =	shalt  }
0x4e: {  	_ =	shalt  }
0x4f: {  	_ =	shalt  }
0x50: {  	_ =	shalt  }
0x51: {  	_ =	shalt  }
0x52: {  	_ =	shalt  }
0x53: {  	_ =	shalt  }
0x54: {  	_ =	shalt  }
0x55: {  	_ =	shalt  }
0x56: {  	_ =	shalt  }
0x57: {  	_ =	shalt  }
0x58: {  	_ =	shalt  }
0x59: {  	_ =	shalt  }
0x5a: {  	_ =	shalt  }
0x5b: {  	_ =	shalt  }
0x5c: {  	_ =	shalt  }
0x5d: {  	_ =	shalt  }
0x5e: {  	_ =	shalt  }
0x5f: {  	_ =	shalt  }
0x60: {  	_ =	shalt  }
0x61: {  	_ =	shalt  }
0x62: {  	_ =	shalt  }
0x63: {  	_ =	shalt  }
0x64: {  	_ =	shalt  }
0x65: {  	_ =	shalt  }
0x66: {  	_ =	shalt  }
0x67: {  	_ =	shalt  }
0x68: {  	_ =	shalt  }
0x69: {  	_ =	shalt  }
0x6a: {  	_ =	shalt  }
0x6b: {  	_ =	shalt  }
0x6c: {  	_ =	shalt  }
0x6d: {  	_ =	shalt  }
0x6e: {  	_ =	shalt  }
0x6f: {  	_ =	shalt  }
0x70: {  	_ =	shalt  }
0x71: {  	_ =	shalt  }
0x72: {  	_ =	shalt  }
0x73: {  	_ =	shalt  }
0x74: {  	_ =	shalt  }
0x75: {  	_ =	shalt  }
0x76: {  	_ =	shalt  }
0x77: {  	_ =	shalt  }
0x78: {  	_ =	shalt  }
0x79: {  	_ =	shalt  }
0x7a: {  	_ =	shalt  }
0x7b: {  	_ =	shalt  }
0x7c: {  	_ =	shalt  }
0x7d: {  	_ =	shalt  }
0x7e: {  	_ =	shalt  }
0x7f: {  	_ =	shalt  }
0x80: {  	_ =	shalt  }
0x81: {  	_ =	shalt  }
0x82: {  	_ =	shalt  }
0x83: {  	_ =	shalt  }
0x84: {  	_ =	shalt  }
0x85: {  	_ =	shalt  }
0x86: {  	_ =	shalt  }
0x87: {  	_ =	shalt  }
.Lfunc_end0:
.L_simem_size_0:
called_computation_lowered:
.L_overlay_start_0:
0x88: {  	s2 =	sld [smem:$0x3FD9]  }
0x89: {  	s3 =	sld [smem:$0x3FFE];
	_ =	sdelay $0x1  }
0x8a: {  	s1 =	srdreg.scid  }
0x8b: {  	s0 =	sand.u32 $0x1, s1  }
0x8c: {  	s17 =	sshll.u32 s0, $0xA;
	s2 =	sadd.s32 s3, s2  }
0x8d: {  	s2 =	sadd.s32 s2, s17  }
0x8e: {  	[smem:$0x3FC6] =	sst s2  }
0x8f: {  	_ = 	snop  }
0x90: {  	s2 =	sld [smem:$0x3FD0];
	(tm) =	ssettm $0x1  }
0x91: {  	s18 =	sld [smem:$0x3FFB];
	_ =	sdelay $0x3  }
0x92: {  	_ =	strace s18  }
0x93: {  	s3 =	sld [smem:$0x3FFC];
	_ =	sdelay $0x3  }
0x94: {  	_ =	strace s3  }
0x95: {  	s3 =	sld [smem:$0x3FFD];
	_ =	sdelay $0x3  }
0x96: {  	_ =	strace s3  }
0x97: {  	_ =	strace $0x8FFFFFFF  }
0x98: {  	s19 =	sld [smem:$0x3FDB];
	_ =	sdelay $0x1  }
0x99: {  	s4 =	simm.s32 $_scs_section_size  }
0x9a: {  	s5 =	simm.s32 $_size__tile_overlayer_lowered;
	s6 =	simm.s32 $_tile_overlayer_lowered  }
0x9b: {  	s22 =	simm.s32 $0x1BFF;
	s21 =	sshll.u32 s6, $0x1;
	s3 =	sadd.s32 s4, s19  }
0x9c: {  	s7 =	simm.s32 $0x0;
	s20 =	sshll.u32 s5, $0x1;
	s5 =	sadd.s32 s21, s3  }
0x9d: {  	[timem:s7], [sflag:s22] =	dma.local [hbm:s5], s20  }
0x9e: {  	_ =	swait.ge [sflag:s22], s20  }
0x9f: {  	s4 =	ssub.s32 $0x0, s20;
	[sflag:s22] =	ssyncset.done $0x0  }
0xa0: {  	[sflag:s22] =	ssyncadd.s32 s4;
	_ =	sdelay $0x1  }
0xa1: {  	s23 =	simm.s32 $0x1B8B  }
0xa2: {  	_ =	swait.ge [sflag:s23], $0x1  }
0xa3: {  	[sflag:s23] =	ssyncset.done $0x0  }
0xa4: {  	s25 =	simm.s32 $0x1B8E;
	s24 =	sld [smem:$0x3FFE];
	[sflag:s23] =	ssyncadd.s32 $0xFFFFFFFF  }
0xa5: {  	s26 =	simm.s32 $execute0_lowered;
	[smem:$0x3FD2] =	sst s25  }
0xa6: {  	s5 =	sshll.u32 s26, $0x1;
	_ =	strace $0x80000046;
	[dreg:$0x1] =	wrdreg $0xFFFFFFFF  }
0xa7: {  	s28 =	simm.s32 $_size_execute0_lowered;
	s3 =	sadd.s32 s3, s5;
	[dreg:$0x0] =	wrdreg $0x0  }
0xa8: {  	s5 =	sshll.u32 s28, $0x1;
	[dreg:$0x2] =	wrdreg s3  }
0xa9: {  	[dreg:$0x3] =	wrdreg s5  }
0xaa: {  	[dreg:$0x4] =	wrdreg $0xC0  }
0xab: {  	_ =	task [dreg:s7], $0x5FFFF  }
0xac: {  	[dreg:$0x1] =	wrdreg $0xFFFFFFFF  }
0xad: {  	[dreg:$0x0] =	wrdreg $0x60  }
0xae: {  	[dreg:$0x2] =	wrdreg s24  }
0xaf: {  	[dreg:$0x3] =	wrdreg s2  }
0xb0: {  	[dreg:$0x4] =	wrdreg $0x9  }
0xb1: {  	_ =	task.clear_ibuf [dreg:s7], $0x5FFFF;
	_ =	strace $0x90000046  }
0xb2: {  	s29 =	simm.s32 $0x9;
	_ =	strace $0x80000048  }
0xb3: {  	_ =	swait.ge [sflag:s29], $0x1  }
0xb4: {  	[sflag:s29] =	ssyncadd.s32 $0xFFFFFFFF  }
0xb5: {  	_ =	strace $0x90000048  }
0xb6: {  	_ =	sfence  }
0xb7: {  	s30 =	sld [smem:$0x0];
	_ =	sdelay $0x2  }
0xb8: {  	s31 =	sshll.u32 s1, $0xD;
	s1 =	sshrl.u32 s1, $0x2  }
0xb9: {  	s3 =	sand.u32 $0x4000, s31;
	s1 =	sadd.s32 s1, s30  }
0xba: {  	s0 =	sor.u32 s3, s0;
	s1 =	sshll.u32 s1, $0x11  }
0xbb: {  	s0 =	sor.u32 s1, s0  }
0xbc: {  	s0 =	sadd.s32 $0x8F2B, s0  }
0xbd: {  	[sflag:s0] =	ssyncadd.remote.s32 $0x1  }
0xbe: {  	_ =	sfence.sel $0xFFFF  }
0xbf: {  	[dreg:$0x0] =	wrdreg $0xFFFFFFFF;
	(pc) =	sbr.abs _section_cstart, $3  }
0xc0: {  	[dreg:$0x1] =	wrdreg $0xFFFFFFFF  }
0xc1: {  	_ =	task.clear_ibuf [dreg:s7], $0x2FFFF;
	_ =	strace $0x9FFFFFFF  }
0xc2: {  	(tm) =	ssettm $0x7FFFFFFF  }
0xc3: {  	_ =	shalt  }
tec
execute0_lowered:
.L_overlay_start_1:
0x0: {  	(tag) =	ssettag $0x1  }
0x1: {  	v0 =	vimm.s32 $0x25B8;
	vm0 =	vcmask $0x300;
	v1 =	vimm.s32 $0x69B8  }
0x2: {  	vm1 =	vcmask $0x704;
	v0 =	vsel vm0, $0x0, v0;
	v1 =	vsel vm0, $0x4400, v1  }
0x3: {  	vm15 =	vcmask $0xB08;
	v0 =	vsel vm1, $0x88, v0;
	v1 =	vsel vm1, $0x4488, v1  }
0x4: {  	s8 =	rddreg [dreg:$0x0];
	s1 =	srdreg.scid;
	vm4 =	vcmask $0xF0C;
	v0 =	vsel vm15, $0x110, v0;
	v1 =	vsel vm15, $0x4510, v1  }
0x5: {  	s0 =	stileid.u32;
	s2 =	rddreg [dreg:$0x1];
	vm5 =	vcmask $0x1310;
	v0 =	vsel vm4, $0x198, v0;
	v1 =	vsel vm4, $0x4598, v1  }
0x6: {  	s3 =	simm.s32 $0x0;
	vm6 =	vcmask $0x1714;
	s12 =	simm.s32 $0x400;
	s13 =	simm.s32 $0x800;
	v0 =	vsel vm5, $0x220, v0;
	v1 =	vsel vm5, $0x4620, v1  }
0x7: {  	vm7 =	vcmask $0x1B18;
	s14 =	simm.s32 $0x8800;
	s15 =	simm.s32 $0x1;
	s16 =	simm.s32 $0x10800;
	v0 =	vsel vm6, $0x2A8, v0;
	v1 =	vsel vm6, $0x46A8, v1  }
0x8: {  	vm8 =	vcmask $0x1F1C;
	s17 =	simm.s32 $0x2;
	s6 =	sand.u32 $0x1, s1;
	s4 =	sshll.u32 s0, $0x1;
	v0 =	vsel vm7, $0x330, v0;
	v1 =	vsel vm7, $0x4730, v1  }
0x9: {  	vm9 =	vcmask $0x2320;
	s18 =	simm.s32 $0x0;
	[smem:$0x7FF] =	sst s3;
	s7 =	sor.u32 s6, s4;
	v0 =	vsel vm8, $0x3B8, v0;
	v1 =	vsel vm8, $0x47B8, v1  }
0xa: {  	vm10 =	vcmask $0x2724;
	s1 =	rddreg [dreg:$0x2];
	_ =	strace $0x80000047;
	s5 =	smul.u32 $0xC8000, s7;
	v0 =	vsel vm9, $0x2200, v0;
	v1 =	vsel vm9, $0x6600, v1  }
0xb: {  	vm11 =	vcmask $0x2B28;
	s4 =	sadd.s32 $0x600, s8;
	s6 =	ssub.s32 $0x2, s6;
	s9 =	sshll.u32 s7, $0xD;
	v0 =	vsel vm10, $0x2288, v0;
	v1 =	vsel vm10, $0x6688, v1  }
0xc: {  	vm12 =	vcmask $0x2F2C;
	s31 =	sshrl.u32 s6, $0x1;
	s9 =	sand.u32 $0x6000, s9;
	s10 =	sand.u32 $0x1FE0000, s5;
	v0 =	vsel vm11, $0x2310, v0;
	v1 =	vsel vm11, $0x6710, v1  }
0xd: {  	vm13 =	vcmask $0x3330;
	s11 =	smul.u32 $0xC80, s7;
	s5 =	sadd.s32 $0xF42A00, s8;
	s9 =	sor.u32 s9, s10;
	v0 =	vsel vm12, $0x2398, v0;
	v1 =	vsel vm12, $0x6798, v1  }
0xe: {  	vm14 =	vcmask $0x3734;
	s8 =	sadd.s32 $0x700, s8;
	s10 =	ssub.s32 s6, s31;
	s9 =	sadd.s32 $0xC0000, s9;
	v0 =	vsel vm13, $0x2420, v0;
	v1 =	vsel vm13, $0x6820, v1  }
0xf: {  	vm15 =	vcmask $0x3B38;
	s6 =	smul.u32 $0x19, s7;
	s7 =	sadd.s32 s4, s11;
	s9 =	sshrl.u32 s9, $0x3;
	v0 =	vsel vm14, $0x24A8, v0;
	v1 =	vsel vm14, $0x68A8, v1  }
0x10: {  	s11 =	simm.s32 $0x3;
	s10 =	smax.u32 s10, $0x1;
	s9 =	sadd.s32 s2, s9;
	v0 =	vsel vm15, $0x2530, v0;
	v1 =	vsel vm15, $0x6930, v1  }
.LBB2_1:
0x11: {  	[tilespmem:s3], [sflag:$0x3] =	stream.linear.gather [hbm4b:s7+s3], $0x400, $0x38;
	[tilespmem:$0x19000] =	vst v63  }
0x12: {  	_ =	swait.ge [sflag:s11], $0x400  }
0x13: {  	[sflag:s11] =	ssyncset.done $0x0  }
0x14: {  	s19 =	simm.s32 $0x0;
	[sflag:s11] =	ssyncadd.s32 $0xFFFFFC00  }
0x15: {  	[tilespmem:s13], [sflag:$0x1] =	stream.indirect.gather [hbm4b:s5+s12], $0x20, s3, s12, $0xb8;
	[tilespmem:$0x19000] =	vst v63  }
.LBB2_2:
0x16: {  	s20 =	sshll.u32 s19, $0x1  }
0x17: {  	s21 =	sadd.s32 s6, s20  }
0x18: {  	s20 =	sadd.s32 $0x1, s21  }
0x19: {  	s22 =	sshll.u32 s20, $0x7  }
0x1a: {  	s23 =	simm.s32 $0x0;
	s24 =	simm.s32 $0x0;
	s22 =	sand.u32 $0x1FFFFF80, s22  }
0x1b: {  	s30 =	simm.s32 $0x1;
	s31 =	simm.s32 $0x3;
	s22 =	sadd.s32 s4, s22  }
0x1c: {  	v2 =	vmov s24;
	[tilespmem:s12], [sflag:$0x3] =	stream.linear.gather [hbm4b:s22+s23], $0x400, $0x38;
	[tilespmem:$0x19000] =	vst v63  }
0x1d: {  	s25 =	simm.s32 $0x2;
	s29 =	simm.s32 $0x7;
	v3 =	vmov s30;
	v4 =	vmov s31;
	v2 =	vmul.u32 $0x440, v2;
	_ =	swait.ge [sflag:s11], $0x400  }
0x1e: {  	v6 =	vmov s25;
	v8 =	vmov s23;
	v19 =	vmov s29;
	[sflag:s11] =	ssyncset.done $0x0  }
0x1f: {  	v5 =	vand.u32 $0x5, v3;
	v7 =	vand.u32 $0x7, v4;
	v2 =	vbroadcast v2, $0x0;
	[sflag:s11] =	ssyncadd.s32 $0xFFFFFC00  }
0x20: {  	v4 =	vand.u32 $0x78, v4;
	v3 =	vand.u32 $0x78, v3;
	v9 =	vand.u32 $0x78, v6;
	[tilespmem:s14], [sflag:$0x2] =	stream.indirect.gather [hbm4b:s5+s12], $0x20, s12, s12, $0xb8;
	[tilespmem:$0x19000] =	vst v63  }
0x21: {  	s30 =	simm.s32 $0x6;
	v12 =	vand.u32 $0x4, v8;
	v8 =	vand.u32 $0x78, v8;
	v10 =	vadd.s32 v0, v2;
	_ =	swait.ge [sflag:s15], $0x8000  }
0x22: {  	v25 =	vand.u32 $0x6, v6;
	v21 =	vmov s30;
	v11 =	vadd.s32 v3, v10;
	[sflag:s15] =	ssyncset.done $0x0  }
0x23: {  	s22 =	simm.s32 $0x840;
	v13 =	vadd.s32 v9, v10;
	v6 =	vadd.s32 v4, v10;
	v10 =	vadd.s32 v8, v10;
	[sflag:s15] =	ssyncadd.s32 $0xFFFF8000  }
0x24: {  	v2 =	vadd.s32 v1, v2;
	v11 =	vor.u32 v5, v11;
	v14 =	vor.u32 v12, v10;
	v10 =	vld [tilespmem:s22+$0xFFFFFFE0]  }
0x25: {  	s26 =	simm.s32 $0x0;
	v15 =	vadd.s32 v8, v2;
	v26 =	vadd.s32 v9, v2;
	v6 =	vor.u32 v7, v6;
	v17 =	vld [tilespmem:s22+$0x20]  }
0x26: {  	v4 =	vadd.s32 v4, v2;
	v8 =	vmov s26;
	v9 =	vadd.s32 v3, v2;
	v18 =	vld [tilespmem:s22+$0xFFFFFFC0]  }
0x27: {  	s28 =	simm.s32 $0x5;
	v16 =	vor.u32 v25, v13;
	v8 =	vmul.u32 $0x440, v8;
	v2 =	vor.u32 v7, v4;
	v7 =	vld [tilespmem:s22+$0x0]  }
0x28: {  	s31 =	simm.s32 $0x4;
	v3 =	vand.u32 $0x7, v19;
	v13 =	vmov s28;
	v9 =	vor.u32 v5, v9  }
0x29: {  	s23 =	simm.s32 $0x8C0;
	v24 =	vbroadcast v8, $0x0;
	v8 =	vand.u32 $0x78, v19;
	v19 =	vmov s31;
	[tilespmem:v11+s16+$0x0] =	vst.idx.msk $0xffff, v10  }
0x2a: {  	v15 =	vor.u32 v12, v15;
	v4 =	vand.u32 $0x5, v13;
	v23 =	vand.u32 $0x78, v19;
	v5 =	vld [tilespmem:s23+$0x0];
	[tilespmem:v6+s16+$0x0] =	vst.idx.msk $0xffff, v17  }
0x2b: {  	v22 =	vld [tilespmem:s23+$0xFFFFFFE0];
	v11 =	vand.u32 $0x78, v13;
	v13 =	vand.u32 $0x78, v21;
	v6 =	vand.u32 $0x4, v19;
	[tilespmem:v14+s16+$0x0] =	vst.idx.msk $0xffff, v18  }
0x2c: {  	v17 =	vadd.s32 v0, v24;
	[tilespmem:v16+s16+$0x0] =	vst.idx.msk $0xffff, v7;
	v7 =	vand.u32 $0x6, v21;
	v24 =	vadd.s32 v1, v24;
	v14 =	vld [tilespmem:s22+$0x30]  }
0x2d: {  	v10 =	vld [tilespmem:s22+$0xFFFFFFF0];
	v12 =	vadd.s32 v11, v17;
	v18 =	vadd.s32 v13, v17;
	v21 =	vadd.s32 v23, v17  }
0x2e: {  	v20 =	vld [tilespmem:s22+$0xFFFFFFD0];
	v19 =	vor.u32 v4, v12;
	v12 =	vadd.s32 v8, v17;
	v16 =	vor.u32 v7, v18  }
0x2f: {  	s24 =	simm.s32 $0x8;
	s25 =	simm.s32 $0x940;
	v18 =	vor.u32 v6, v21;
	v21 =	vld [tilespmem:s23+$0x20];
	v17 =	vor.u32 v3, v12;
	v12 =	vor.u32 v25, v26  }
.LBB2_3:
0x30: {  	s26 =	sshrl.u32 s24, $0x7  }
0x31: {  	s28 =	sadd.s32 $0x1, s24;
	s29 =	sadd.s32 $0x2, s24;
	v25 =	vld [tilespmem:s25+$0x0];
	v23 =	vadd.s32 v23, v24;
	v26 =	vadd.s32 v13, v24;
	v8 =	vadd.s32 v8, v24;
	v27 =	vmovc v14;
	s30 =	smov.u32 s24  }
0x32: {  	p0 =	slt.u32 s24, $0x3FC;
	s24 =	sadd.s32 $0x4, s24;
	v11 =	vadd.s32 v11, v24;
	v13 =	vmov s26;
	v14 =	vmov s28;
	s26 =	sadd.s32 $0x3, s30;
	v28 =	vld [tilespmem:s23+$0xFFFFFFC0];
	[tilespmem:v9+s16+$0x0] =	vst.idx.msk $0xffff, v10  }
0x33: {  	v24 =	vor.u32 v3, v8;
	v9 =	vmul.u32 $0x440, v13;
	v10 =	vmov s26;
	[tilespmem:v15+s16+$0x0] =	vst.idx.msk $0xffff, v20;
	v29 =	vld [tilespmem:s22+$0x10];
	s22 =	smov.u32 s23;
	s23 =	smov.u32 s25  }
0x34: {  	v30 =	vmov s29;
	v13 =	vand.u32 $0x5, v14;
	v3 =	vand.u32 $0x7, v10;
	[tilespmem:v19+s16+$0x0] =	vst.idx.msk $0xffff, v22  }
0x35: {  	v8 =	vand.u32 $0x78, v10;
	v31 =	vbroadcast v9, $0x0;
	v10 =	vld [tilespmem:s22+$0xFFFFFFF0];
	v9 =	vor.u32 v4, v11;
	[tilespmem:v17+s16+$0x0] =	vst.idx.msk $0xffff, v21;
	v4 =	vmovc v13  }
0x36: {  	v17 =	vmov s30;
	v11 =	vand.u32 $0x78, v14;
	v13 =	vand.u32 $0x78, v30;
	[tilespmem:v16+s16+$0x0] =	vst.idx.msk $0xffff, v5;
	v5 =	vmovc v25  }
.Ltmp0:
0x37: {  	v15 =	vor.u32 v6, v23;
	v6 =	vand.u32 $0x4, v17;
	v16 =	vadd.s32 v0, v31;
	[tilespmem:v18+s16+$0x0] =	vst.idx.msk $0xffff, v28;
	v14 =	vld [tilespmem:s22+$0x30];
	(pc) =	sbr.rel @p0 .LBB2_3-.Ltmp0, $4  }
0x38: {  	v23 =	vand.u32 $0x78, v17;
	v17 =	vadd.s32 v11, v16;
	v18 =	vadd.s32 v13, v16;
	v20 =	vld [tilespmem:s22+$0xFFFFFFD0];
	[tilespmem:v12+s16+$0x0] =	vst.idx.msk $0xffff, v29  }
0x39: {  	v25 =	vand.u32 $0x6, v30;
	v12 =	vadd.s32 v8, v16;
	v19 =	vor.u32 v4, v17;
	[tilespmem:v2+s16+$0x0] =	vst.idx.msk $0xffff, v27  }
0x3a: {  	v21 =	vadd.s32 v23, v16;
	v16 =	vor.u32 v25, v18;
	v17 =	vor.u32 v3, v12;
	v2 =	vmovc v24;
	v22 =	vld [tilespmem:s25+$0xFFFFFFE0]  }
0x3b: {  	v18 =	vor.u32 v6, v21;
	v24 =	vadd.s32 v1, v31;
	v12 =	vor.u32 v7, v26;
	v7 =	vmovc v25;
	s25 =	sadd.s32 $0x80, s25;
	v21 =	vld [tilespmem:s23+$0x20]  }
0x3c: {  	_ =	sdelay $0x3  }
0x3d: {  	v25 =	vld [tilespmem:s23+$0xFFFFFFC0];
	[tilespmem:v9+s16+$0x0] =	vst.idx.msk $0xffff, v10  }
0x3e: {  	[tilespmem:v16+s16+$0x0] =	vst.idx.msk $0xffff, v5  }
0x3f: {  	v55 =	vld [tilespmem:s22+$0x10];
	v59 =	vadd.s32 v13, v24;
	[tilespmem:v2+s16+$0x0] =	vst.idx.msk $0xffff, v14  }
0x40: {  	v56 =	vadd.s32 v11, v24;
	v7 =	vor.u32 v7, v59;
	v62 =	vld [tilespmem:s23+$0x10];
	[tilespmem:v19+s16+$0x0] =	vst.idx.msk $0xffff, v22  }
0x41: {  	v8 =	vadd.s32 v8, v24;
	v4 =	vor.u32 v4, v56;
	v58 =	vld [tilespmem:s23+$0xFFFFFFF0];
	[tilespmem:v17+s16+$0x0] =	vst.idx.msk $0xffff, v21  }
0x42: {  	v57 =	vadd.s32 v23, v24;
	v3 =	vor.u32 v3, v8;
	[tilespmem:v18+s16+$0x0] =	vst.idx.msk $0xffff, v25;
	v63 =	vld [tilespmem:s23+$0x30]  }
0x43: {  	[tilespmem:v15+s16+$0x0] =	vst.idx.msk $0xffff, v20;
	v60 =	vor.u32 v6, v57;
	v61 =	vld [tilespmem:s23+$0xFFFFFFD0]  }
0x44: {  	s30 =	sshll.u32 s21, $0xA;
	[tilespmem:v12+s16+$0x0] =	vst.idx.msk $0xffff, v55  }
0x45: {  	s31 =	sshll.u32 s21, $0xC;
	s22 =	sand.u32 $0xC00, s30;
	[tilespmem:v7+s16+$0x0] =	vst.idx.msk $0xffff, v62  }
0x46: {  	s22 =	sadd.s32 s2, s22;
	s23 =	sand.u32 $0xFFFC000, s31;
	[tilespmem:v4+s16+$0x0] =	vst.idx.msk $0xffff, v58  }
0x47: {  	s24 =	simm.s32 $0x10;
	s22 =	sadd.s32 s23, s22;
	[tilespmem:v3+s16+$0x0] =	vst.idx.msk $0xffff, v63  }
0x48: {  	s25 =	simm.s32 $0x10888;
	s23 =	simm.s32 $0x10800;
	s26 =	sadd.s32 $0x0, s22;
	[tilespmem:v60+s16+$0x0] =	vst.idx.msk $0xffff, v61  }
.LBB2_5:
0x49: {  	[hbm4b:s26+s3] =	stream.linear.scatter [tilespmem:s23], [sflag:$0x3], $0x80, $0x38;
	[tilespmem:$0x19000] =	vst v63  }
0x4a: {  	s26 =	smov.u32 s24;
	s23 =	smov.u32 s25;
	p0 =	sne.s32 s24, $0x3F0  }
.Ltmp1:
0x4b: {  	s24 =	sadd.s32 $0x10, s24;
	(pc) =	sbr.rel @p0 .LBB2_5-.Ltmp1, $2  }
0x4c: {  	_ =	sdelay $0x2  }
0x4d: {  	s25 =	sadd.s32 $0x88, s25;
	s26 =	sadd.s32 s26, s22  }
0x4e: {  	[hbm4b:s26+s3] =	stream.linear.scatter [tilespmem:s23], [sflag:$0x3], $0x80, $0x38;
	[tilespmem:$0x19000] =	vst v63  }
0x4f: {  	s23 =	sadd.s32 $0x1000, s22;
	s24 =	simm.s32 $0x12A00  }
0x50: {  	s25 =	simm.s32 $0x10;
	s26 =	simm.s32 $0x12A88;
	s28 =	sadd.s32 $0x0, s23  }
.LBB2_7:
0x51: {  	[hbm4b:s28+s3] =	stream.linear.scatter [tilespmem:s24], [sflag:$0x3], $0x80, $0x38;
	[tilespmem:$0x19000] =	vst v63  }
0x52: {  	s28 =	smov.u32 s25;
	s24 =	smov.u32 s26;
	p0 =	sne.s32 s25, $0x3F0  }
.Ltmp2:
0x53: {  	s25 =	sadd.s32 $0x10, s25;
	(pc) =	sbr.rel @p0 .LBB2_7-.Ltmp2, $2  }
0x54: {  	_ =	sdelay $0x2  }
0x55: {  	s26 =	sadd.s32 $0x88, s26;
	s28 =	sadd.s32 s28, s23  }
0x56: {  	[hbm4b:s28+s3] =	stream.linear.scatter [tilespmem:s24], [sflag:$0x3], $0x80, $0x38;
	[tilespmem:$0x19000] =	vst v63  }
0x57: {  	s23 =	sadd.s32 $0x2000, s22;
	s24 =	simm.s32 $0x14C00  }
0x58: {  	s25 =	simm.s32 $0x10;
	s26 =	simm.s32 $0x14C88;
	s28 =	sadd.s32 $0x0, s23  }
.LBB2_9:
0x59: {  	[hbm4b:s28+s3] =	stream.linear.scatter [tilespmem:s24], [sflag:$0x3], $0x80, $0x38;
	[tilespmem:$0x19000] =	vst v63  }
0x5a: {  	s28 =	smov.u32 s25;
	s24 =	smov.u32 s26;
	p0 =	sne.s32 s25, $0x3F0  }
.Ltmp3:
0x5b: {  	s25 =	sadd.s32 $0x10, s25;
	(pc) =	sbr.rel @p0 .LBB2_9-.Ltmp3, $2  }
0x5c: {  	_ =	sdelay $0x2  }
0x5d: {  	s26 =	sadd.s32 $0x88, s26;
	s28 =	sadd.s32 s28, s23  }
0x5e: {  	[hbm4b:s28+s3] =	stream.linear.scatter [tilespmem:s24], [sflag:$0x3], $0x80, $0x38;
	[tilespmem:$0x19000] =	vst v63  }
0x5f: {  	s22 =	sadd.s32 $0x3000, s22;
	s23 =	simm.s32 $0x16E00  }
0x60: {  	s24 =	simm.s32 $0x10;
	s25 =	simm.s32 $0x16E88;
	s26 =	sadd.s32 $0x0, s22  }
.LBB2_11:
0x61: {  	[hbm4b:s26+s3] =	stream.linear.scatter [tilespmem:s23], [sflag:$0x3], $0x80, $0x38;
	[tilespmem:$0x19000] =	vst v63  }
0x62: {  	s26 =	smov.u32 s24;
	s23 =	smov.u32 s25;
	p0 =	sne.s32 s24, $0x3F0  }
.Ltmp4:
0x63: {  	s24 =	sadd.s32 $0x10, s24;
	(pc) =	sbr.rel @p0 .LBB2_11-.Ltmp4, $2  }
0x64: {  	_ =	sdelay $0x2  }
0x65: {  	s25 =	sadd.s32 $0x88, s25;
	s26 =	sadd.s32 s26, s22  }
0x66: {  	[hbm4b:s26+s3] =	stream.linear.scatter [tilespmem:s23], [sflag:$0x3], $0x80, $0x38;
	[tilespmem:$0x19000] =	vst v63  }
0x67: {  	s21 =	sshll.u32 s21, $0x7;
	s22 =	simm.s32 $0x0;
	_ =	swait.ge [sflag:s11], $0x8000  }
0x68: {  	s31 =	simm.s32 $0x0;
	s23 =	simm.s32 $0x1;
	[sflag:s11] =	ssyncset.done $0x0  }
0x69: {  	s25 =	simm.s32 $0x3;
	s21 =	sadd.s32 s21, s8;
	[sflag:s11] =	ssyncadd.s32 $0xFFFF8000  }
0x6a: {  	v2 =	vmov s31;
	[tilespmem:s22], [sflag:$0x3] =	stream.linear.gather [hbm4b:s21+s22], $0x400, $0x38;
	[tilespmem:$0x19000] =	vst v63  }
0x6b: {  	s24 =	simm.s32 $0x2;
	s29 =	simm.s32 $0x7;
	v3 =	vmov s23;
	v4 =	vmov s25;
	v2 =	vmul.u32 $0x440, v2;
	_ =	swait.ge [sflag:s11], $0x400  }
0x6c: {  	s30 =	simm.s32 $0x6;
	v6 =	vmov s24;
	v8 =	vmov s22;
	v19 =	vmov s29;
	[sflag:s11] =	ssyncset.done $0x0  }
0x6d: {  	v21 =	vmov s30;
	v5 =	vand.u32 $0x5, v3;
	v2 =	vbroadcast v2, $0x0;
	[sflag:s11] =	ssyncadd.s32 $0xFFFFFC00  }
0x6e: {  	v7 =	vand.u32 $0x7, v4;
	v4 =	vand.u32 $0x78, v4;
	v3 =	vand.u32 $0x78, v3;
	[tilespmem:s13], [sflag:$0x1] =	stream.indirect.gather [hbm4b:s5+s12], $0x20, s22, s12, $0xb8;
	[tilespmem:$0x19000] =	vst v63  }
0x6f: {  	v9 =	vand.u32 $0x78, v6;
	v12 =	vand.u32 $0x4, v8;
	v10 =	vadd.s32 v0, v2;
	_ =	swait.ge [sflag:s17], $0x8000  }
0x70: {  	v8 =	vand.u32 $0x78, v8;
	v25 =	vand.u32 $0x6, v6;
	v11 =	vadd.s32 v3, v10;
	[sflag:s17] =	ssyncset.done $0x0  }
0x71: {  	s21 =	simm.s32 $0x8840;
	v13 =	vadd.s32 v9, v10;
	v6 =	vadd.s32 v4, v10;
	v10 =	vadd.s32 v8, v10;
	[sflag:s17] =	ssyncadd.s32 $0xFFFF8000  }
0x72: {  	v2 =	vadd.s32 v1, v2;
	v11 =	vor.u32 v5, v11;
	v14 =	vor.u32 v12, v10;
	v10 =	vld [tilespmem:s21+$0xFFFFFFE0]  }
0x73: {  	s26 =	simm.s32 $0x0;
	v15 =	vadd.s32 v8, v2;
	v26 =	vadd.s32 v9, v2;
	v6 =	vor.u32 v7, v6;
	v17 =	vld [tilespmem:s21+$0x20]  }
0x74: {  	v4 =	vadd.s32 v4, v2;
	v8 =	vmov s26;
	v9 =	vadd.s32 v3, v2;
	v18 =	vld [tilespmem:s21+$0xFFFFFFC0]  }
0x75: {  	s28 =	simm.s32 $0x5;
	v16 =	vor.u32 v25, v13;
	v8 =	vmul.u32 $0x440, v8;
	v2 =	vor.u32 v7, v4;
	v7 =	vld [tilespmem:s21+$0x0]  }
0x76: {  	s31 =	simm.s32 $0x4;
	v3 =	vand.u32 $0x7, v19;
	v13 =	vmov s28;
	v9 =	vor.u32 v5, v9  }
0x77: {  	s22 =	simm.s32 $0x88C0;
	v24 =	vbroadcast v8, $0x0;
	v8 =	vand.u32 $0x78, v19;
	v19 =	vmov s31;
	[tilespmem:v11+s16+$0x0] =	vst.idx.msk $0xffff, v10  }
0x78: {  	v15 =	vor.u32 v12, v15;
	v4 =	vand.u32 $0x5, v13;
	v23 =	vand.u32 $0x78, v19;
	v5 =	vld [tilespmem:s22+$0x0];
	[tilespmem:v6+s16+$0x0] =	vst.idx.msk $0xffff, v17  }
0x79: {  	v22 =	vld [tilespmem:s22+$0xFFFFFFE0];
	v11 =	vand.u32 $0x78, v13;
	v13 =	vand.u32 $0x78, v21;
	v6 =	vand.u32 $0x4, v19;
	[tilespmem:v14+s16+$0x0] =	vst.idx.msk $0xffff, v18  }
0x7a: {  	v17 =	vadd.s32 v0, v24;
	[tilespmem:v16+s16+$0x0] =	vst.idx.msk $0xffff, v7;
	v7 =	vand.u32 $0x6, v21;
	v24 =	vadd.s32 v1, v24;
	v14 =	vld [tilespmem:s21+$0x30]  }
0x7b: {  	v10 =	vld [tilespmem:s21+$0xFFFFFFF0];
	v12 =	vadd.s32 v11, v17;
	v18 =	vadd.s32 v13, v17;
	v21 =	vadd.s32 v23, v17  }
0x7c: {  	v20 =	vld [tilespmem:s21+$0xFFFFFFD0];
	v19 =	vor.u32 v4, v12;
	v12 =	vadd.s32 v8, v17;
	v16 =	vor.u32 v7, v18  }
0x7d: {  	s23 =	simm.s32 $0x8;
	s24 =	simm.s32 $0x8940;
	v18 =	vor.u32 v6, v21;
	v21 =	vld [tilespmem:s22+$0x20];
	v17 =	vor.u32 v3, v12;
	v12 =	vor.u32 v25, v26  }
.LBB2_13:
0x7e: {  	s25 =	sshrl.u32 s23, $0x7  }
0x7f: {  	s26 =	sadd.s32 $0x1, s23;
	s28 =	sadd.s32 $0x2, s23;
	v25 =	vld [tilespmem:s24+$0x0];
	v23 =	vadd.s32 v23, v24;
	v26 =	vadd.s32 v13, v24;
	v8 =	vadd.s32 v8, v24;
	v27 =	vmovc v14;
	s29 =	smov.u32 s23  }
0x80: {  	p0 =	slt.u32 s23, $0x3FC;
	s23 =	sadd.s32 $0x4, s23;
	v11 =	vadd.s32 v11, v24;
	v13 =	vmov s25;
	v14 =	vmov s26;
	s25 =	sadd.s32 $0x3, s29;
	v28 =	vld [tilespmem:s22+$0xFFFFFFC0];
	[tilespmem:v9+s16+$0x0] =	vst.idx.msk $0xffff, v10  }
0x81: {  	v24 =	vor.u32 v3, v8;
	v9 =	vmul.u32 $0x440, v13;
	v10 =	vmov s25;
	[tilespmem:v15+s16+$0x0] =	vst.idx.msk $0xffff, v20;
	v29 =	vld [tilespmem:s21+$0x10];
	s21 =	smov.u32 s22;
	s22 =	smov.u32 s24  }
0x82: {  	v30 =	vmov s28;
	v13 =	vand.u32 $0x5, v14;
	v3 =	vand.u32 $0x7, v10;
	[tilespmem:v19+s16+$0x0] =	vst.idx.msk $0xffff, v22  }
0x83: {  	v8 =	vand.u32 $0x78, v10;
	v31 =	vbroadcast v9, $0x0;
	v10 =	vld [tilespmem:s21+$0xFFFFFFF0];
	v9 =	vor.u32 v4, v11;
	[tilespmem:v17+s16+$0x0] =	vst.idx.msk $0xffff, v21;
	v4 =	vmovc v13  }
0x84: {  	v17 =	vmov s29;
	v11 =	vand.u32 $0x78, v14;
	v13 =	vand.u32 $0x78, v30;
	[tilespmem:v16+s16+$0x0] =	vst.idx.msk $0xffff, v5;
	v5 =	vmovc v25  }
.Ltmp5:
0x85: {  	v15 =	vor.u32 v6, v23;
	v6 =	vand.u32 $0x4, v17;
	v16 =	vadd.s32 v0, v31;
	[tilespmem:v18+s16+$0x0] =	vst.idx.msk $0xffff, v28;
	v14 =	vld [tilespmem:s21+$0x30];
	(pc) =	sbr.rel @p0 .LBB2_13-.Ltmp5, $4  }
0x86: {  	v23 =	vand.u32 $0x78, v17;
	v17 =	vadd.s32 v11, v16;
	v18 =	vadd.s32 v13, v16;
	v20 =	vld [tilespmem:s21+$0xFFFFFFD0];
	[tilespmem:v12+s16+$0x0] =	vst.idx.msk $0xffff, v29  }
0x87: {  	v25 =	vand.u32 $0x6, v30;
	v12 =	vadd.s32 v8, v16;
	v19 =	vor.u32 v4, v17;
	[tilespmem:v2+s16+$0x0] =	vst.idx.msk $0xffff, v27  }
0x88: {  	v21 =	vadd.s32 v23, v16;
	v16 =	vor.u32 v25, v18;
	v17 =	vor.u32 v3, v12;
	v2 =	vmovc v24;
	v22 =	vld [tilespmem:s24+$0xFFFFFFE0]  }
0x89: {  	v18 =	vor.u32 v6, v21;
	v24 =	vadd.s32 v1, v31;
	v12 =	vor.u32 v7, v26;
	v7 =	vmovc v25;
	s24 =	sadd.s32 $0x80, s24;
	v21 =	vld [tilespmem:s22+$0x20]  }
0x8a: {  	_ =	sdelay $0x3  }
0x8b: {  	v25 =	vld [tilespmem:s22+$0xFFFFFFC0];
	[tilespmem:v9+s16+$0x0] =	vst.idx.msk $0xffff, v10  }
0x8c: {  	[tilespmem:v16+s16+$0x0] =	vst.idx.msk $0xffff, v5  }
0x8d: {  	v55 =	vld [tilespmem:s21+$0x10];
	v59 =	vadd.s32 v13, v24;
	[tilespmem:v2+s16+$0x0] =	vst.idx.msk $0xffff, v14  }
0x8e: {  	v56 =	vadd.s32 v11, v24;
	v7 =	vor.u32 v7, v59;
	v62 =	vld [tilespmem:s22+$0x10];
	[tilespmem:v19+s16+$0x0] =	vst.idx.msk $0xffff, v22  }
0x8f: {  	v8 =	vadd.s32 v8, v24;
	v4 =	vor.u32 v4, v56;
	v58 =	vld [tilespmem:s22+$0xFFFFFFF0];
	[tilespmem:v17+s16+$0x0] =	vst.idx.msk $0xffff, v21  }
0x90: {  	v57 =	vadd.s32 v23, v24;
	v3 =	vor.u32 v3, v8;
	[tilespmem:v18+s16+$0x0] =	vst.idx.msk $0xffff, v25;
	v63 =	vld [tilespmem:s22+$0x30]  }
0x91: {  	[tilespmem:v15+s16+$0x0] =	vst.idx.msk $0xffff, v20;
	v60 =	vor.u32 v6, v57;
	v61 =	vld [tilespmem:s22+$0xFFFFFFD0]  }
0x92: {  	s30 =	sshll.u32 s20, $0xA;
	[tilespmem:v12+s16+$0x0] =	vst.idx.msk $0xffff, v55  }
0x93: {  	s31 =	sshll.u32 s20, $0xC;
	s21 =	sand.u32 $0xC00, s30;
	[tilespmem:v7+s16+$0x0] =	vst.idx.msk $0xffff, v62  }
0x94: {  	s20 =	sand.u32 $0xFFFC000, s31;
	s21 =	sadd.s32 s2, s21;
	[tilespmem:v4+s16+$0x0] =	vst.idx.msk $0xffff, v58  }
0x95: {  	s23 =	simm.s32 $0x10888;
	s20 =	sadd.s32 s20, s21;
	[tilespmem:v3+s16+$0x0] =	vst.idx.msk $0xffff, v63  }
0x96: {  	s21 =	simm.s32 $0x10800;
	s24 =	sadd.s32 $0x0, s20;
	s22 =	simm.s32 $0x10;
	[tilespmem:v60+s16+$0x0] =	vst.idx.msk $0xffff, v61  }
.LBB2_15:
0x97: {  	[hbm4b:s24+s3] =	stream.linear.scatter [tilespmem:s21], [sflag:$0x3], $0x80, $0x38;
	[tilespmem:$0x19000] =	vst v63  }
0x98: {  	s24 =	smov.u32 s22;
	s21 =	smov.u32 s23;
	p0 =	sne.s32 s22, $0x3F0  }
.Ltmp6:
0x99: {  	s22 =	sadd.s32 $0x10, s22;
	(pc) =	sbr.rel @p0 .LBB2_15-.Ltmp6, $2  }
0x9a: {  	_ =	sdelay $0x2  }
0x9b: {  	s23 =	sadd.s32 $0x88, s23;
	s24 =	sadd.s32 s24, s20  }
0x9c: {  	[hbm4b:s24+s3] =	stream.linear.scatter [tilespmem:s21], [sflag:$0x3], $0x80, $0x38;
	[tilespmem:$0x19000] =	vst v63  }
0x9d: {  	s21 =	sadd.s32 $0x1000, s20;
	s22 =	simm.s32 $0x12A00  }
0x9e: {  	s23 =	simm.s32 $0x10;
	s24 =	simm.s32 $0x12A88;
	s25 =	sadd.s32 $0x0, s21  }
.LBB2_17:
0x9f: {  	[hbm4b:s25+s3] =	stream.linear.scatter [tilespmem:s22], [sflag:$0x3], $0x80, $0x38;
	[tilespmem:$0x19000] =	vst v63  }
0xa0: {  	s25 =	smov.u32 s23;
	s22 =	smov.u32 s24;
	p0 =	sne.s32 s23, $0x3F0  }
.Ltmp7:
0xa1: {  	s23 =	sadd.s32 $0x10, s23;
	(pc) =	sbr.rel @p0 .LBB2_17-.Ltmp7, $2  }
0xa2: {  	_ =	sdelay $0x2  }
0xa3: {  	s24 =	sadd.s32 $0x88, s24;
	s25 =	sadd.s32 s25, s21  }
0xa4: {  	[hbm4b:s25+s3] =	stream.linear.scatter [tilespmem:s22], [sflag:$0x3], $0x80, $0x38;
	[tilespmem:$0x19000] =	vst v63  }
0xa5: {  	s21 =	sadd.s32 $0x2000, s20;
	s22 =	simm.s32 $0x14C00  }
0xa6: {  	s23 =	simm.s32 $0x10;
	s24 =	simm.s32 $0x14C88;
	s25 =	sadd.s32 $0x0, s21  }
.LBB2_19:
0xa7: {  	[hbm4b:s25+s3] =	stream.linear.scatter [tilespmem:s22], [sflag:$0x3], $0x80, $0x38;
	[tilespmem:$0x19000] =	vst v63  }
0xa8: {  	s25 =	smov.u32 s23;
	s22 =	smov.u32 s24;
	p0 =	sne.s32 s23, $0x3F0  }
.Ltmp8:
0xa9: {  	s23 =	sadd.s32 $0x10, s23;
	(pc) =	sbr.rel @p0 .LBB2_19-.Ltmp8, $2  }
0xaa: {  	_ =	sdelay $0x2  }
0xab: {  	s24 =	sadd.s32 $0x88, s24;
	s25 =	sadd.s32 s25, s21  }
0xac: {  	[hbm4b:s25+s3] =	stream.linear.scatter [tilespmem:s22], [sflag:$0x3], $0x80, $0x38;
	[tilespmem:$0x19000] =	vst v63  }
0xad: {  	s20 =	sadd.s32 $0x3000, s20;
	s21 =	simm.s32 $0x16E00  }
0xae: {  	s22 =	simm.s32 $0x10;
	s23 =	simm.s32 $0x16E88;
	s24 =	sadd.s32 $0x0, s20  }
.LBB2_21:
0xaf: {  	[hbm4b:s24+s3] =	stream.linear.scatter [tilespmem:s21], [sflag:$0x3], $0x80, $0x38;
	[tilespmem:$0x19000] =	vst v63  }
0xb0: {  	s24 =	smov.u32 s22;
	s21 =	smov.u32 s23;
	p0 =	sne.s32 s22, $0x3F0  }
.Ltmp9:
0xb1: {  	s22 =	sadd.s32 $0x10, s22;
	(pc) =	sbr.rel @p0 .LBB2_21-.Ltmp9, $2  }
0xb2: {  	_ =	sdelay $0x2  }
0xb3: {  	s23 =	sadd.s32 $0x88, s23;
	s24 =	sadd.s32 s24, s20  }
0xb4: {  	s19 =	sadd.s32 $0x1, s19  }
0xb5: {  	p0 =	sne.s32 s19, $0xC  }
.Ltmp10:
0xb6: {  	_ = 	snop;
	(pc) =	sbr.rel @p0 .LBB2_2-.Ltmp10, $4  }
0xb7: {  	[hbm4b:s24+s3] =	stream.linear.scatter [tilespmem:s21], [sflag:$0x3], $0x80, $0x38;
	[tilespmem:$0x19000] =	vst v63  }
0xb8: {  	_ =	swait.ge [sflag:s11], $0x8000  }
0xb9: {  	[sflag:s11] =	ssyncset.done $0x0  }
0xba: {  	[sflag:s11] =	ssyncadd.s32 $0xFFFF8000  }
0xbb: {  	s19 =	simm.s32 $0x0  }
0xbc: {  	s24 =	simm.s32 $0x1;
	s20 =	simm.s32 $0x3;
	v2 =	vmov s19  }
0xbd: {  	s21 =	simm.s32 $0x2;
	s25 =	simm.s32 $0x0;
	s29 =	simm.s32 $0x7;
	v3 =	vmov s24;
	v4 =	vmov s20;
	v2 =	vmul.u32 $0x440, v2  }
0xbe: {  	s30 =	simm.s32 $0x6;
	v6 =	vmov s21;
	v8 =	vmov s25;
	v19 =	vmov s29  }
0xbf: {  	v21 =	vmov s30;
	v5 =	vand.u32 $0x5, v3;
	v2 =	vbroadcast v2, $0x0  }
0xc0: {  	v7 =	vand.u32 $0x7, v4;
	v4 =	vand.u32 $0x78, v4;
	v3 =	vand.u32 $0x78, v3  }
0xc1: {  	_ =	swait.ge [sflag:s15], $0x8000;
	v9 =	vand.u32 $0x78, v6;
	v12 =	vand.u32 $0x4, v8;
	v10 =	vadd.s32 v0, v2  }
0xc2: {  	[sflag:s15] =	ssyncset.done $0x0;
	v8 =	vand.u32 $0x78, v8;
	v25 =	vand.u32 $0x6, v6;
	v11 =	vadd.s32 v3, v10  }
0xc3: {  	s19 =	simm.s32 $0x840;
	[sflag:s15] =	ssyncadd.s32 $0xFFFF8000;
	v13 =	vadd.s32 v9, v10;
	v6 =	vadd.s32 v4, v10;
	v10 =	vadd.s32 v8, v10  }
0xc4: {  	v2 =	vadd.s32 v1, v2;
	v11 =	vor.u32 v5, v11;
	v14 =	vor.u32 v12, v10;
	v10 =	vld [tilespmem:s19+$0xFFFFFFE0]  }
0xc5: {  	s26 =	simm.s32 $0x0;
	v17 =	vld [tilespmem:s19+$0x20];
	v15 =	vadd.s32 v8, v2;
	v26 =	vadd.s32 v9, v2;
	v6 =	vor.u32 v7, v6  }
0xc6: {  	v18 =	vld [tilespmem:s19+$0xFFFFFFC0];
	v4 =	vadd.s32 v4, v2;
	v8 =	vmov s26;
	v9 =	vadd.s32 v3, v2  }
0xc7: {  	s28 =	simm.s32 $0x5;
	v16 =	vor.u32 v25, v13;
	v8 =	vmul.u32 $0x440, v8;
	v2 =	vor.u32 v7, v4;
	v7 =	vld [tilespmem:s19+$0x0]  }
0xc8: {  	s31 =	simm.s32 $0x4;
	v3 =	vand.u32 $0x7, v19;
	v13 =	vmov s28;
	v9 =	vor.u32 v5, v9  }
0xc9: {  	s20 =	simm.s32 $0x8C0;
	v24 =	vbroadcast v8, $0x0;
	v8 =	vand.u32 $0x78, v19;
	v19 =	vmov s31;
	[tilespmem:v11+s16+$0x0] =	vst.idx.msk $0xffff, v10  }
0xca: {  	v22 =	vld [tilespmem:s20+$0xFFFFFFE0];
	v15 =	vor.u32 v12, v15;
	v4 =	vand.u32 $0x5, v13;
	v23 =	vand.u32 $0x78, v19;
	[tilespmem:v6+s16+$0x0] =	vst.idx.msk $0xffff, v17  }
0xcb: {  	v5 =	vld [tilespmem:s20+$0x0];
	v11 =	vand.u32 $0x78, v13;
	v13 =	vand.u32 $0x78, v21;
	v6 =	vand.u32 $0x4, v19;
	[tilespmem:v14+s16+$0x0] =	vst.idx.msk $0xffff, v18  }
0xcc: {  	v17 =	vadd.s32 v0, v24;
	[tilespmem:v16+s16+$0x0] =	vst.idx.msk $0xffff, v7;
	v7 =	vand.u32 $0x6, v21;
	v24 =	vadd.s32 v1, v24;
	v14 =	vld [tilespmem:s19+$0x30]  }
0xcd: {  	v10 =	vld [tilespmem:s19+$0xFFFFFFF0];
	v12 =	vadd.s32 v11, v17;
	v18 =	vadd.s32 v13, v17;
	v21 =	vadd.s32 v23, v17  }
0xce: {  	v20 =	vld [tilespmem:s19+$0xFFFFFFD0];
	v19 =	vor.u32 v4, v12;
	v12 =	vadd.s32 v8, v17;
	v16 =	vor.u32 v7, v18  }
0xcf: {  	s22 =	simm.s32 $0x940;
	s21 =	simm.s32 $0x8;
	v18 =	vor.u32 v6, v21;
	v21 =	vld [tilespmem:s20+$0x20];
	v17 =	vor.u32 v3, v12;
	v12 =	vor.u32 v25, v26  }
.LBB2_24:
0xd0: {  	s23 =	sshrl.u32 s21, $0x7  }
0xd1: {  	s24 =	sadd.s32 $0x1, s21;
	s25 =	sadd.s32 $0x2, s21;
	v25 =	vld [tilespmem:s22+$0x0];
	v23 =	vadd.s32 v23, v24;
	v26 =	vadd.s32 v13, v24;
	v8 =	vadd.s32 v8, v24;
	v27 =	vmovc v14;
	s26 =	smov.u32 s21  }
0xd2: {  	p0 =	slt.u32 s21, $0x3FC;
	s21 =	sadd.s32 $0x4, s21;
	v11 =	vadd.s32 v11, v24;
	v13 =	vmov s23;
	v14 =	vmov s24;
	s23 =	sadd.s32 $0x3, s26;
	v28 =	vld [tilespmem:s20+$0xFFFFFFC0];
	[tilespmem:v9+s16+$0x0] =	vst.idx.msk $0xffff, v10  }
0xd3: {  	v24 =	vor.u32 v3, v8;
	v9 =	vmul.u32 $0x440, v13;
	v10 =	vmov s23;
	[tilespmem:v15+s16+$0x0] =	vst.idx.msk $0xffff, v20;
	v29 =	vld [tilespmem:s19+$0x10];
	s19 =	smov.u32 s20;
	s20 =	smov.u32 s22  }
0xd4: {  	v30 =	vmov s25;
	v13 =	vand.u32 $0x5, v14;
	v3 =	vand.u32 $0x7, v10;
	[tilespmem:v19+s16+$0x0] =	vst.idx.msk $0xffff, v22  }
0xd5: {  	v8 =	vand.u32 $0x78, v10;
	v31 =	vbroadcast v9, $0x0;
	v10 =	vld [tilespmem:s19+$0xFFFFFFF0];
	v9 =	vor.u32 v4, v11;
	[tilespmem:v17+s16+$0x0] =	vst.idx.msk $0xffff, v21;
	v4 =	vmovc v13  }
0xd6: {  	v17 =	vmov s26;
	v11 =	vand.u32 $0x78, v14;
	v13 =	vand.u32 $0x78, v30;
	[tilespmem:v16+s16+$0x0] =	vst.idx.msk $0xffff, v5;
	v5 =	vmovc v25  }
.Ltmp11:
0xd7: {  	v15 =	vor.u32 v6, v23;
	v6 =	vand.u32 $0x4, v17;
	v16 =	vadd.s32 v0, v31;
	[tilespmem:v18+s16+$0x0] =	vst.idx.msk $0xffff, v28;
	v14 =	vld [tilespmem:s19+$0x30];
	(pc) =	sbr.rel @p0 .LBB2_24-.Ltmp11, $4  }
0xd8: {  	v23 =	vand.u32 $0x78, v17;
	v17 =	vadd.s32 v11, v16;
	v18 =	vadd.s32 v13, v16;
	v20 =	vld [tilespmem:s19+$0xFFFFFFD0];
	[tilespmem:v12+s16+$0x0] =	vst.idx.msk $0xffff, v29  }
0xd9: {  	v25 =	vand.u32 $0x6, v30;
	v12 =	vadd.s32 v8, v16;
	v19 =	vor.u32 v4, v17;
	[tilespmem:v2+s16+$0x0] =	vst.idx.msk $0xffff, v27  }
0xda: {  	v21 =	vadd.s32 v23, v16;
	v16 =	vor.u32 v25, v18;
	v17 =	vor.u32 v3, v12;
	v2 =	vmovc v24;
	v22 =	vld [tilespmem:s22+$0xFFFFFFE0]  }
0xdb: {  	v18 =	vor.u32 v6, v21;
	v24 =	vadd.s32 v1, v31;
	v12 =	vor.u32 v7, v26;
	v7 =	vmovc v25;
	s22 =	sadd.s32 $0x80, s22;
	v21 =	vld [tilespmem:s20+$0x20]  }
0xdc: {  	_ =	sdelay $0x3  }
0xdd: {  	v25 =	vld [tilespmem:s20+$0xFFFFFFC0];
	[tilespmem:v9+s16+$0x0] =	vst.idx.msk $0xffff, v10  }
0xde: {  	[tilespmem:v16+s16+$0x0] =	vst.idx.msk $0xffff, v5  }
0xdf: {  	v55 =	vld [tilespmem:s19+$0x10];
	v59 =	vadd.s32 v13, v24;
	[tilespmem:v2+s16+$0x0] =	vst.idx.msk $0xffff, v14  }
0xe0: {  	v56 =	vadd.s32 v11, v24;
	v7 =	vor.u32 v7, v59;
	v62 =	vld [tilespmem:s20+$0x10];
	[tilespmem:v19+s16+$0x0] =	vst.idx.msk $0xffff, v22  }
0xe1: {  	v8 =	vadd.s32 v8, v24;
	v4 =	vor.u32 v4, v56;
	v58 =	vld [tilespmem:s20+$0xFFFFFFF0];
	[tilespmem:v17+s16+$0x0] =	vst.idx.msk $0xffff, v21  }
0xe2: {  	v57 =	vadd.s32 v23, v24;
	v3 =	vor.u32 v3, v8;
	[tilespmem:v18+s16+$0x0] =	vst.idx.msk $0xffff, v25;
	v63 =	vld [tilespmem:s20+$0x30]  }
0xe3: {  	[tilespmem:v15+s16+$0x0] =	vst.idx.msk $0xffff, v20;
	v60 =	vor.u32 v6, v57;
	v61 =	vld [tilespmem:s20+$0xFFFFFFD0]  }
0xe4: {  	[tilespmem:v12+s16+$0x0] =	vst.idx.msk $0xffff, v55  }
0xe5: {  	[tilespmem:v7+s16+$0x0] =	vst.idx.msk $0xffff, v62  }
0xe6: {  	[tilespmem:v4+s16+$0x0] =	vst.idx.msk $0xffff, v58  }
0xe7: {  	s19 =	simm.s32 $0x10800;
	[tilespmem:v3+s16+$0x0] =	vst.idx.msk $0xffff, v63  }
0xe8: {  	s22 =	sadd.s32 $0x0, s9;
	s21 =	simm.s32 $0x10888;
	s20 =	simm.s32 $0x10;
	[tilespmem:v60+s16+$0x0] =	vst.idx.msk $0xffff, v61  }
.LBB2_26:
0xe9: {  	[hbm4b:s22+s3] =	stream.linear.scatter [tilespmem:s19], [sflag:$0x3], $0x80, $0x38;
	[tilespmem:$0x19000] =	vst v63  }
0xea: {  	s22 =	smov.u32 s20;
	s19 =	smov.u32 s21;
	p0 =	sne.s32 s20, $0x3F0  }
.Ltmp12:
0xeb: {  	s20 =	sadd.s32 $0x10, s20;
	(pc) =	sbr.rel @p0 .LBB2_26-.Ltmp12, $2  }
0xec: {  	_ =	sdelay $0x2  }
0xed: {  	s21 =	sadd.s32 $0x88, s21;
	s22 =	sadd.s32 s22, s9  }
0xee: {  	[hbm4b:s22+s3] =	stream.linear.scatter [tilespmem:s19], [sflag:$0x3], $0x80, $0x38;
	[tilespmem:$0x19000] =	vst v63  }
0xef: {  	s19 =	sadd.s32 $0x1000, s9;
	s20 =	simm.s32 $0x12A00  }
0xf0: {  	s21 =	simm.s32 $0x10;
	s22 =	simm.s32 $0x12A88;
	s23 =	sadd.s32 $0x0, s19  }
.LBB2_28:
0xf1: {  	[hbm4b:s23+s3] =	stream.linear.scatter [tilespmem:s20], [sflag:$0x3], $0x80, $0x38;
	[tilespmem:$0x19000] =	vst v63  }
0xf2: {  	s23 =	smov.u32 s21;
	s20 =	smov.u32 s22;
	p0 =	sne.s32 s21, $0x3F0  }
.Ltmp13:
0xf3: {  	s21 =	sadd.s32 $0x10, s21;
	(pc) =	sbr.rel @p0 .LBB2_28-.Ltmp13, $2  }
0xf4: {  	_ =	sdelay $0x2  }
0xf5: {  	s22 =	sadd.s32 $0x88, s22;
	s23 =	sadd.s32 s23, s19  }
0xf6: {  	[hbm4b:s23+s3] =	stream.linear.scatter [tilespmem:s20], [sflag:$0x3], $0x80, $0x38;
	[tilespmem:$0x19000] =	vst v63  }
0xf7: {  	s19 =	sadd.s32 $0x2000, s9;
	s20 =	simm.s32 $0x14C00  }
0xf8: {  	s21 =	simm.s32 $0x10;
	s22 =	simm.s32 $0x14C88;
	s23 =	sadd.s32 $0x0, s19  }
.LBB2_30:
0xf9: {  	[hbm4b:s23+s3] =	stream.linear.scatter [tilespmem:s20], [sflag:$0x3], $0x80, $0x38;
	[tilespmem:$0x19000] =	vst v63  }
0xfa: {  	s23 =	smov.u32 s21;
	s20 =	smov.u32 s22;
	p0 =	sne.s32 s21, $0x3F0  }
.Ltmp14:
0xfb: {  	s21 =	sadd.s32 $0x10, s21;
	(pc) =	sbr.rel @p0 .LBB2_30-.Ltmp14, $2  }
0xfc: {  	_ =	sdelay $0x2  }
0xfd: {  	s22 =	sadd.s32 $0x88, s22;
	s23 =	sadd.s32 s23, s19  }
0xfe: {  	[hbm4b:s23+s3] =	stream.linear.scatter [tilespmem:s20], [sflag:$0x3], $0x80, $0x38;
	[tilespmem:$0x19000] =	vst v63  }
0xff: {  	s19 =	sadd.s32 $0x3000, s9;
	s20 =	simm.s32 $0x16E00  }
0x100: {  	s21 =	simm.s32 $0x10;
	s22 =	simm.s32 $0x16E88;
	s23 =	sadd.s32 $0x0, s19  }
.LBB2_32:
0x101: {  	[hbm4b:s23+s3] =	stream.linear.scatter [tilespmem:s20], [sflag:$0x3], $0x80, $0x38;
	[tilespmem:$0x19000] =	vst v63  }
0x102: {  	s23 =	smov.u32 s21;
	s20 =	smov.u32 s22;
	p0 =	sne.s32 s21, $0x3F0  }
.Ltmp15:
0x103: {  	s21 =	sadd.s32 $0x10, s21;
	(pc) =	sbr.rel @p0 .LBB2_32-.Ltmp15, $2  }
0x104: {  	_ =	sdelay $0x2  }
0x105: {  	s22 =	sadd.s32 $0x88, s22;
	s23 =	sadd.s32 s23, s19  }
0x106: {  	s18 =	sadd.s32 $0x1, s18  }
0x107: {  	p0 =	sne.s32 s18, s10  }
.Ltmp16:
0x108: {  	_ = 	snop;
	(pc) =	sbr.rel @p0 .LBB2_1-.Ltmp16, $4  }
0x109: {  	[hbm4b:s23+s3] =	stream.linear.scatter [tilespmem:s20], [sflag:$0x3], $0x80, $0x38;
	[tilespmem:$0x19000] =	vst v63  }
0x10a: {  	_ =	swait.ge [sflag:s11], $0x8000  }
0x10b: {  	[sflag:s11] =	ssyncset.done $0x0  }
0x10c: {  	[sflag:s11] =	ssyncadd.s32 $0xFFFF8000  }
0x10d: {  	_ =	sfence.sel $0x180000  }
0x10e: {  	[bflag:$0x0] =	sbarrier.arrive $0xFFFF  }
0x10f: {  	p0 =	sne.s32 s0, $0x0;
	_ =	strace $0x90000047  }
0x110: {  	s0 =	sadd.s32 @!p0 $0x100000, s1;
	[bflag:$0x2] =	sbarrier.arrive $0xFFFF  }
0x111: {  	[sflag:s0] =	ssyncadd.tile.s32 @!p0 $0x1;
	_ =	shalt  }
.Lfunc_end2:
_tile_overlayer_lowered:
.L_overlay_start_2:
0x112: {  	(tag) =	ssettag $0x2  }
0x113: {  	s0 =	rddreg [dreg:$0x0];
	s2 =	stileid.u32  }
0x114: {  	s1 =	rddreg [dreg:$0x1];
	p0 =	sne.s32 s2, $0x0  }
0x115: {  	s3 =	rddreg [dreg:$0x2];
	[bflag:$0x3] =	sbarrier.arrive $0xFFFF;
	s2 =	simm.s32 @!p0 $0x1C03  }
0x116: {  	[timem:s3], [sflag:s2] =	dma.local @!p0 [hbm:s0], s1  }
0x117: {  	s0 =	simm.s32 @!p0 $0x3  }
0x118: {  	_ =	swait.ge @!p0 [sflag:s0], s1  }
0x119: {  	s1 =	ssub.s32 @!p0 $0x0, s1;
	[sflag:s0] =	ssyncset.done @!p0 $0x0  }
0x11a: {  	[sflag:s0] =	ssyncadd.s32 @!p0 s1  }
0x11b: {  	[bflag:$0x3] =	sbarrier.arrive $0xFFFF  }
0x11c: {  	_ =	shalt  }

</sc_bundles>
